<compile_context>
chip_gen: v7x
topology: tpu7x:2x2x1
jax: 0.10.2.dev20260603
libtpu: 0.0.44.dev20260713+nightly
codegen_flags: <defaults>
</compile_context>

<pallas_src>
import jax
import jax.numpy as jnp
from jax import lax
from jax.experimental import pallas as pl
from jax.experimental.pallas import tpu as pltpu
from jax.experimental.pallas import tpu_sc as plsc

NUM_CLASSES = 1000
DIM = 64
BATCH = 16384
LANES = 16
SUBROWS = 8

_info = plsc.get_sparse_core_info()
NUM_CORES = _info.num_cores
NUM_SUBCORES = _info.num_subcores
NW = NUM_CORES * NUM_SUBCORES
B_PER_W = BATCH // NW
NTILE = 125000


def _freq_bias_body(sbj_hbm, obj_hbm, table_hbm, out_hbm,
                    sbj_v, obj_v, outb_v, sem):
    wid = lax.axis_index("s") * NUM_CORES + lax.axis_index("c")
    base = wid * B_PER_W
    pltpu.sync_copy(sbj_hbm.at[pl.ds(base, B_PER_W)], sbj_v)
    pltpu.sync_copy(obj_hbm.at[pl.ds(base, B_PER_W)], obj_v)

    def group_body(g, _):
        s = sbj_v[pl.ds(g * LANES, LANES)]
        o = obj_v[pl.ds(g * LANES, LANES)]
        f_vec = s * NUM_CLASSES + o
        t_vec = lax.shift_right_logical(f_vec, 3)
        r_vec = lax.bitwise_and(f_vec, 7)
        for l in range(LANES):
            e = g * LANES + l
            pltpu.async_copy(
                table_hbm.at[t_vec[l], r_vec[l]],
                outb_v.at[lax.shift_right_logical(e, 3),
                          lax.bitwise_and(e, 7)],
                sem)
        return _

    lax.fori_loop(0, B_PER_W // LANES, group_body, None)

    pltpu.make_async_copy(table_hbm.at[pl.ds(0, B_PER_W // SUBROWS)],
                          outb_v, sem).wait()

    pltpu.sync_copy(outb_v,
                    out_hbm.at[pl.ds(wid * (B_PER_W // SUBROWS),
                                     B_PER_W // SUBROWS)])


def kernel(sbj_labels, obj_labels, node_baseline):
    mesh = plsc.VectorSubcoreMesh(core_axis_name="c", subcore_axis_name="s")
    k = pl.kernel(
        _freq_bias_body,
        mesh=mesh,
        compiler_params=pltpu.CompilerParams(use_tc_tiling_on_sc=True),
        out_type=jax.ShapeDtypeStruct((BATCH // SUBROWS, SUBROWS, DIM),
                                      jnp.float32),
        scratch_types=[
            pltpu.VMEM((B_PER_W,), jnp.int32),
            pltpu.VMEM((B_PER_W,), jnp.int32),
            pltpu.VMEM((B_PER_W // SUBROWS, SUBROWS, DIM), jnp.float32),
            pltpu.SemaphoreType.DMA,
        ],
    )
    table3 = node_baseline.reshape(NTILE, SUBROWS, DIM)
    out3 = k(sbj_labels.astype(jnp.int32), obj_labels.astype(jnp.int32),
             table3)
    return out3.reshape(BATCH, DIM)

# --- scband reference (transcript-rebuilt; emitter-appended) ---
"""Pipeline reference for scband-freq-bias-83820581749165 (READ-ONLY COPY).

The authoritative reference and input builder live on the scoring server;
editing this copy changes nothing except your own understanding.
"""

import jax, jax.numpy as jnp
import numpy as np

NUM_NODE_CLASSES = 1000
NUM_REL_OUTPUTS = 64
BATCH = 16384


def setup_inputs(seed: int = 0) -> dict:
    key = jax.random.key(seed)
    k1, k2, k3 = jax.random.split(key, 3)
    sbj_labels = jax.random.randint(k1, (BATCH,), 0, NUM_NODE_CLASSES, dtype=jnp.int64 if jax.config.jax_enable_x64 else jnp.int32)
    obj_labels = jax.random.randint(k2, (BATCH,), 0, NUM_NODE_CLASSES, dtype=jnp.int64 if jax.config.jax_enable_x64 else jnp.int32)
    # Embedding table: num_node_classes^2 rows x num_rel_outputs cols, N(0,1) init like nn.Embedding
    node_baseline = jax.random.normal(k3, (NUM_NODE_CLASSES * NUM_NODE_CLASSES, NUM_REL_OUTPUTS), dtype=jnp.float32)
    return {"sbj_labels": sbj_labels, "obj_labels": obj_labels, "node_baseline": node_baseline}


def reference(sbj_labels, obj_labels, node_baseline):
    # flat index = sbj * num_node_classes + obj; embedding lookup
    flat_idx = sbj_labels * NUM_NODE_CLASSES + obj_labels
    return jnp.take(node_baseline, flat_idx, axis=0)

if __name__ == "__main__":
    import jax
    _d = setup_inputs()
    print(jax.jit(kernel)(*tuple(_d.values())))

</pallas_src>

<mosaic_0001>
#map = affine_map<(d0, d1) -> (0)>
#map1 = affine_map<(d0, d1) -> (0, 0, 0)>
module attributes {stable_mosaic.version = 14 : i64} {
  func.func @_freq_bias_body(%arg0: i32, %arg1: i32, %arg2: memref<16384xi32, #tpu.memory_space<hbm>>, %arg3: memref<16384xi32, #tpu.memory_space<hbm>>, %arg4: memref<125000x8x64xf32, #tpu.memory_space<hbm>>, %arg5: memref<2048x8x64xf32, #tpu.memory_space<hbm>>, %arg6: memref<512xi32, #tpu.memory_space<vmem>>, %arg7: memref<512xi32, #tpu.memory_space<vmem>>, %arg8: memref<64x8x64xf32, #tpu.memory_space<vmem>>, %arg9: memref<!tpu.dma_semaphore, #tpu.memory_space<semaphore_mem>>) attributes {dimension_semantics = [#tpu.dimension_semantics<core_parallel>, #tpu.dimension_semantics<subcore_parallel>], iteration_bounds = array<i64: 2, 16>, scalar_prefetch = 0 : i64, scratch_operands = 4 : i64, tpu.core_type = #tpu.core_type<sc_vector_subcore>, window_params = [{transform_indices = #map}, {transform_indices = #map}, {transform_indices = #map1}, {transform_indices = #map1}]} {
    %mul3A = arith.constant 2 : i32
    %mul3A_0 = arith.muli %arg1, %mul3A : i32
    %add3A = arith.addi %mul3A_0, %arg0 : i32
    %mul3A_1 = arith.constant 512 : i32
    %mul3A_2 = arith.muli %add3A, %mul3A_1 : i32
    "tpu.region"() ({
      %run_scoped3A = tpu.sem_alloc : memref<!tpu.dma_semaphore, #tpu.memory_space<semaphore_mem>>
      %dma_start3A = tpu.memref_slice %arg2[%mul3A_2] : memref<16384xi32, #tpu.memory_space<hbm>> -> memref<512xi32, #tpu.memory_space<hbm>>
      %dma_start3A_16 = tpu.memref_slice %arg2[%mul3A_2] : memref<16384xi32, #tpu.memory_space<hbm>> -> memref<512xi32, #tpu.memory_space<hbm>>
      tpu.enqueue_dma source(%dma_start3A_16 : memref<512xi32, #tpu.memory_space<hbm>>) target(%arg6 : memref<512xi32, #tpu.memory_space<vmem>>) target_semaphore(%run_scoped3A : memref<!tpu.dma_semaphore, #tpu.memory_space<semaphore_mem>>)
      %dma_wait3A_17 = tpu.memref_slice %arg2[%mul3A_2] : memref<16384xi32, #tpu.memory_space<hbm>> -> memref<512xi32, #tpu.memory_space<hbm>>
      %dma_wait3A_18 = tpu.memref_slice %arg2[%mul3A_2] : memref<16384xi32, #tpu.memory_space<hbm>> -> memref<512xi32, #tpu.memory_space<hbm>>
      tpu.wait_dma2 semaphore(%run_scoped3A : memref<!tpu.dma_semaphore, #tpu.memory_space<semaphore_mem>>) src(%dma_wait3A_18 : memref<512xi32, #tpu.memory_space<hbm>>) dst(%arg6 : memref<512xi32, #tpu.memory_space<vmem>>)
      tpu.yield
    }) : () -> ()
    "tpu.region"() ({
      %run_scoped3A = tpu.sem_alloc : memref<!tpu.dma_semaphore, #tpu.memory_space<semaphore_mem>>
      %dma_start3A = tpu.memref_slice %arg3[%mul3A_2] : memref<16384xi32, #tpu.memory_space<hbm>> -> memref<512xi32, #tpu.memory_space<hbm>>
      %dma_start3A_16 = tpu.memref_slice %arg3[%mul3A_2] : memref<16384xi32, #tpu.memory_space<hbm>> -> memref<512xi32, #tpu.memory_space<hbm>>
      tpu.enqueue_dma source(%dma_start3A_16 : memref<512xi32, #tpu.memory_space<hbm>>) target(%arg7 : memref<512xi32, #tpu.memory_space<vmem>>) target_semaphore(%run_scoped3A : memref<!tpu.dma_semaphore, #tpu.memory_space<semaphore_mem>>)
      %dma_wait3A_17 = tpu.memref_slice %arg3[%mul3A_2] : memref<16384xi32, #tpu.memory_space<hbm>> -> memref<512xi32, #tpu.memory_space<hbm>>
      %dma_wait3A_18 = tpu.memref_slice %arg3[%mul3A_2] : memref<16384xi32, #tpu.memory_space<hbm>> -> memref<512xi32, #tpu.memory_space<hbm>>
      tpu.wait_dma2 semaphore(%run_scoped3A : memref<!tpu.dma_semaphore, #tpu.memory_space<semaphore_mem>>) src(%dma_wait3A_18 : memref<512xi32, #tpu.memory_space<hbm>>) dst(%arg7 : memref<512xi32, #tpu.memory_space<vmem>>)
      tpu.yield
    }) : () -> ()
    %scan3A = arith.constant 0 : i32
    %scan3A_3 = arith.constant 32 : i32
    %scan3A_4 = arith.addi %scan3A, %scan3A_3 : i32
    %scan3A_5 = arith.constant 1 : i32
    scf.for %scan3A_16 = %scan3A to %scan3A_4 step %scan3A_5  : i32 {
      %mul3A_17 = arith.constant 16 : i32
      %mul3A_18 = arith.muli %scan3A_16, %mul3A_17 : i32
      %get3A = arith.index_cast %mul3A_18 : i32 to index
      %get3A_19 = tpu.vector_load %arg6[%get3A] {strides = array<i32>} : memref<512xi32, #tpu.memory_space<vmem>>, vector<16xi32>,
      %get3A_20 = vector.shape_cast %get3A_19 : vector<16xi32> to vector<16xi32>
      %mul3A_21 = arith.constant 16 : i32
      %mul3A_22 = arith.muli %scan3A_16, %mul3A_21 : i32
      %get3A_23 = arith.index_cast %mul3A_22 : i32 to index
      %get3A_24 = tpu.vector_load %arg7[%get3A_23] {strides = array<i32>} : memref<512xi32, #tpu.memory_space<vmem>>, vector<16xi32>,
      %get3A_25 = vector.shape_cast %get3A_24 : vector<16xi32> to vector<16xi32>
      %mul3A_26 = arith.constant 1000 : i32
      %mul3A_27 = vector.broadcast %mul3A_26 : i32 to vector<16xi32>
      %mul3A_28 = arith.muli %get3A_20, %mul3A_27 : vector<16xi32>
      %add3A_29 = arith.addi %mul3A_28, %get3A_25 : vector<16xi32>
      %shift_right_logical3A = arith.constant 3 : i32
      %shift_right_logical3A_30 = vector.broadcast %shift_right_logical3A : i32 to vector<16xi32>
      %shift_right_logical3A_31 = arith.shrui %add3A_29, %shift_right_logical3A_30 : vector<16xi32>
      %and3A = arith.constant 7 : i32
      %and3A_32 = vector.broadcast %and3A : i32 to vector<16xi32>
      %and3A_33 = arith.andi %add3A_29, %and3A_32 : vector<16xi32>
      %mul3A_34 = arith.constant 16 : i32
      %mul3A_35 = arith.muli %scan3A_16, %mul3A_34 : i32
      %add3A_36 = arith.constant 0 : i32
      %add3A_37 = arith.addi %mul3A_35, %add3A_36 : i32
      %slice3A = vector.extract_strided_slice %shift_right_logical3A_31 {offsets = [0], sizes = [1], strides = [1]} : vector<16xi32> to vector<1xi32>
      %squeeze3A = vector.extract %slice3A[0] : i32 from vector<1xi32>
      %slice3A_38 = vector.extract_strided_slice %and3A_33 {offsets = [0], sizes = [1], strides = [1]} : vector<16xi32> to vector<1xi32>
      %squeeze3A_39 = vector.extract %slice3A_38[0] : i32 from vector<1xi32>
      %shift_right_logical3A_40 = arith.constant 3 : i32
      %shift_right_logical3A_41 = arith.shrui %add3A_37, %shift_right_logical3A_40 : i32
      %and3A_42 = arith.constant 7 : i32
      %and3A_43 = arith.andi %add3A_37, %and3A_42 : i32
      %dma_start3A = arith.constant 0 : i32
      %dma_start3A_44 = tpu.memref_slice %arg8[%shift_right_logical3A_41, %and3A_43, %dma_start3A] : memref<64x8x64xf32, #tpu.memory_space<vmem>> -> memref<1x1x64xf32, #tpu.memory_space<vmem>>
      %dma_start3A_45 = tpu.memref_squeeze %dma_start3A_44 : memref<1x1x64xf32, #tpu.memory_space<vmem>> -> memref<64xf32, #tpu.memory_space<vmem>>
      %dma_start3A_46 = arith.constant 0 : i32
      %dma_start3A_47 = tpu.memref_slice %arg4[%squeeze3A, %squeeze3A_39, %dma_start3A_46] : memref<125000x8x64xf32, #tpu.memory_space<hbm>> -> memref<1x1x64xf32, #tpu.memory_space<hbm>>
      %dma_start3A_48 = tpu.memref_squeeze %dma_start3A_47 : memref<1x1x64xf32, #tpu.memory_space<hbm>> -> memref<64xf32, #tpu.memory_space<hbm>>
      %dma_start3A_49 = arith.constant 0 : i32
      %dma_start3A_50 = tpu.memref_slice %arg8[%shift_right_logical3A_41, %and3A_43, %dma_start3A_49] : memref<64x8x64xf32, #tpu.memory_space<vmem>> -> memref<1x1x64xf32, #tpu.memory_space<vmem>>
      %dma_start3A_51 = tpu.memref_squeeze %dma_start3A_50 : memref<1x1x64xf32, #tpu.memory_space<vmem>> -> memref<64xf32, #tpu.memory_space<vmem>>
      %dma_start3A_52 = arith.constant 0 : i32
      %dma_start3A_53 = tpu.memref_slice %arg4[%squeeze3A, %squeeze3A_39, %dma_start3A_52] : memref<125000x8x64xf32, #tpu.memory_space<hbm>> -> memref<1x1x64xf32, #tpu.memory_space<hbm>>
      %dma_start3A_54 = tpu.memref_squeeze %dma_start3A_53 : memref<1x1x64xf32, #tpu.memory_space<hbm>> -> memref<64xf32, #tpu.memory_space<hbm>>
      tpu.enqueue_dma source(%dma_start3A_54 : memref<64xf32, #tpu.memory_space<hbm>>) target(%dma_start3A_51 : memref<64xf32, #tpu.memory_space<vmem>>) target_semaphore(%arg9 : memref<!tpu.dma_semaphore, #tpu.memory_space<semaphore_mem>>)
      %mul3A_55 = arith.constant 16 : i32
      %mul3A_56 = arith.muli %scan3A_16, %mul3A_55 : i32
      %add3A_57 = arith.constant 1 : i32
      %add3A_58 = arith.addi %mul3A_56, %add3A_57 : i32
      %slice3A_59 = vector.extract_strided_slice %shift_right_logical3A_31 {offsets = [1], sizes = [1], strides = [1]} : vector<16xi32> to vector<1xi32>
      %squeeze3A_60 = vector.extract %slice3A_59[0] : i32 from vector<1xi32>
      %slice3A_61 = vector.extract_strided_slice %and3A_33 {offsets = [1], sizes = [1], strides = [1]} : vector<16xi32> to vector<1xi32>
      %squeeze3A_62 = vector.extract %slice3A_61[0] : i32 from vector<1xi32>
      %shift_right_logical3A_63 = arith.constant 3 : i32
      %shift_right_logical3A_64 = arith.shrui %add3A_58, %shift_right_logical3A_63 : i32
      %and3A_65 = arith.constant 7 : i32
      %and3A_66 = arith.andi %add3A_58, %and3A_65 : i32
      %dma_start3A_67 = arith.constant 0 : i32
      %dma_start3A_68 = tpu.memref_slice %arg8[%shift_right_logical3A_64, %and3A_66, %dma_start3A_67] : memref<64x8x64xf32, #tpu.memory_space<vmem>> -> memref<1x1x64xf32, #tpu.memory_space<vmem>>
      %dma_start3A_69 = tpu.memref_squeeze %dma_start3A_68 : memref<1x1x64xf32, #tpu.memory_space<vmem>> -> memref<64xf32, #tpu.memory_space<vmem>>
      %dma_start3A_70 = arith.constant 0 : i32
      %dma_start3A_71 = tpu.memref_slice %arg4[%squeeze3A_60, %squeeze3A_62, %dma_start3A_70] : memref<125000x8x64xf32, #tpu.memory_space<hbm>> -> memref<1x1x64xf32, #tpu.memory_space<hbm>>
      %dma_start3A_72 = tpu.memref_squeeze %dma_start3A_71 : memref<1x1x64xf32, #tpu.memory_space<hbm>> -> memref<64xf32, #tpu.memory_space<hbm>>
      %dma_start3A_73 = arith.constant 0 : i32
      %dma_start3A_74 = tpu.memref_slice %arg8[%shift_right_logical3A_64, %and3A_66, %dma_start3A_73] : memref<64x8x64xf32, #tpu.memory_space<vmem>> -> memref<1x1x64xf32, #tpu.memory_space<vmem>>
      %dma_start3A_75 = tpu.memref_squeeze %dma_start3A_74 : memref<1x1x64xf32, #tpu.memory_space<vmem>> -> memref<64xf32, #tpu.memory_space<vmem>>
      %dma_start3A_76 = arith.constant 0 : i32
      %dma_start3A_77 = tpu.memref_slice %arg4[%squeeze3A_60, %squeeze3A_62, %dma_start3A_76] : memref<125000x8x64xf32, #tpu.memory_space<hbm>> -> memref<1x1x64xf32, #tpu.memory_space<hbm>>
      %dma_start3A_78 = tpu.memref_squeeze %dma_start3A_77 : memref<1x1x64xf32, #tpu.memory_space<hbm>> -> memref<64xf32, #tpu.memory_space<hbm>>
      tpu.enqueue_dma source(%dma_start3A_78 : memref<64xf32, #tpu.memory_space<hbm>>) target(%dma_start3A_75 : memref<64xf32, #tpu.memory_space<vmem>>) target_semaphore(%arg9 : memref<!tpu.dma_semaphore, #tpu.memory_space<semaphore_mem>>)
      %mul3A_79 = arith.constant 16 : i32
      %mul3A_80 = arith.muli %scan3A_16, %mul3A_79 : i32
      %add3A_81 = arith.constant 2 : i32
      %add3A_82 = arith.addi %mul3A_80, %add3A_81 : i32
      %slice3A_83 = vector.extract_strided_slice %shift_right_logical3A_31 {offsets = [2], sizes = [1], strides = [1]} : vector<16xi32> to vector<1xi32>
      %squeeze3A_84 = vector.extract %slice3A_83[0] : i32 from vector<1xi32>
      %slice3A_85 = vector.extract_strided_slice %and3A_33 {offsets = [2], sizes = [1], strides = [1]} : vector<16xi32> to vector<1xi32>
      %squeeze3A_86 = vector.extract %slice3A_85[0] : i32 from vector<1xi32>
      %shift_right_logical3A_87 = arith.constant 3 : i32
      %shift_right_logical3A_88 = arith.shrui %add3A_82, %shift_right_logical3A_87 : i32
      %and3A_89 = arith.constant 7 : i32
      %and3A_90 = arith.andi %add3A_82, %and3A_89 : i32
      %dma_start3A_91 = arith.constant 0 : i32
      %dma_start3A_92 = tpu.memref_slice %arg8[%shift_right_logical3A_88, %and3A_90, %dma_start3A_91] : memref<64x8x64xf32, #tpu.memory_space<vmem>> -> memref<1x1x64xf32, #tpu.memory_space<vmem>>
      %dma_start3A_93 = tpu.memref_squeeze %dma_start3A_92 : memref<1x1x64xf32, #tpu.memory_space<vmem>> -> memref<64xf32, #tpu.memory_space<vmem>>
      %dma_start3A_94 = arith.constant 0 : i32
      %dma_start3A_95 = tpu.memref_slice %arg4[%squeeze3A_84, %squeeze3A_86, %dma_start3A_94] : memref<125000x8x64xf32, #tpu.memory_space<hbm>> -> memref<1x1x64xf32, #tpu.memory_space<hbm>>
      %dma_start3A_96 = tpu.memref_squeeze %dma_start3A_95 : memref<1x1x64xf32, #tpu.memory_space<hbm>> -> memref<64xf32, #tpu.memory_space<hbm>>
      %dma_start3A_97 = arith.constant 0 : i32
      %dma_start3A_98 = tpu.memref_slice %arg8[%shift_right_logical3A_88, %and3A_90, %dma_start3A_97] : memref<64x8x64xf32, #tpu.memory_space<vmem>> -> memref<1x1x64xf32, #tpu.memory_space<vmem>>
      %dma_start3A_99 = tpu.memref_squeeze %dma_start3A_98 : memref<1x1x64xf32, #tpu.memory_space<vmem>> -> memref<64xf32, #tpu.memory_space<vmem>>
      %dma_start3A_100 = arith.constant 0 : i32
      %dma_start3A_101 = tpu.memref_slice %arg4[%squeeze3A_84, %squeeze3A_86, %dma_start3A_100] : memref<125000x8x64xf32, #tpu.memory_space<hbm>> -> memref<1x1x64xf32, #tpu.memory_space<hbm>>
      %dma_start3A_102 = tpu.memref_squeeze %dma_start3A_101 : memref<1x1x64xf32, #tpu.memory_space<hbm>> -> memref<64xf32, #tpu.memory_space<hbm>>
      tpu.enqueue_dma source(%dma_start3A_102 : memref<64xf32, #tpu.memory_space<hbm>>) target(%dma_start3A_99 : memref<64xf32, #tpu.memory_space<vmem>>) target_semaphore(%arg9 : memref<!tpu.dma_semaphore, #tpu.memory_space<semaphore_mem>>)
      %mul3A_103 = arith.constant 16 : i32
      %mul3A_104 = arith.muli %scan3A_16, %mul3A_103 : i32
      %add3A_105 = arith.constant 3 : i32
      %add3A_106 = arith.addi %mul3A_104, %add3A_105 : i32
      %slice3A_107 = vector.extract_strided_slice %shift_right_logical3A_31 {offsets = [3], sizes = [1], strides = [1]} : vector<16xi32> to vector<1xi32>
      %squeeze3A_108 = vector.extract %slice3A_107[0] : i32 from vector<1xi32>
      %slice3A_109 = vector.extract_strided_slice %and3A_33 {offsets = [3], sizes = [1], strides = [1]} : vector<16xi32> to vector<1xi32>
      %squeeze3A_110 = vector.extract %slice3A_109[0] : i32 from vector<1xi32>
      %shift_right_logical3A_111 = arith.constant 3 : i32
      %shift_right_logical3A_112 = arith.shrui %add3A_106, %shift_right_logical3A_111 : i32
      %and3A_113 = arith.constant 7 : i32
      %and3A_114 = arith.andi %add3A_106, %and3A_113 : i32
      %dma_start3A_115 = arith.constant 0 : i32
      %dma_start3A_116 = tpu.memref_slice %arg8[%shift_right_logical3A_112, %and3A_114, %dma_start3A_115] : memref<64x8x64xf32, #tpu.memory_space<vmem>> -> memref<1x1x64xf32, #tpu.memory_space<vmem>>
      %dma_start3A_117 = tpu.memref_squeeze %dma_start3A_116 : memref<1x1x64xf32, #tpu.memory_space<vmem>> -> memref<64xf32, #tpu.memory_space<vmem>>
      %dma_start3A_118 = arith.constant 0 : i32
      %dma_start3A_119 = tpu.memref_slice %arg4[%squeeze3A_108, %squeeze3A_110, %dma_start3A_118] : memref<125000x8x64xf32, #tpu.memory_space<hbm>> -> memref<1x1x64xf32, #tpu.memory_space<hbm>>
      %dma_start3A_120 = tpu.memref_squeeze %dma_start3A_119 : memref<1x1x64xf32, #tpu.memory_space<hbm>> -> memref<64xf32, #tpu.memory_space<hbm>>
      %dma_start3A_121 = arith.constant 0 : i32
      %dma_start3A_122 = tpu.memref_slice %arg8[%shift_right_logical3A_112, %and3A_114, %dma_start3A_121] : memref<64x8x64xf32, #tpu.memory_space<vmem>> -> memref<1x1x64xf32, #tpu.memory_space<vmem>>
      %dma_start3A_123 = tpu.memref_squeeze %dma_start3A_122 : memref<1x1x64xf32, #tpu.memory_space<vmem>> -> memref<64xf32, #tpu.memory_space<vmem>>
      %dma_start3A_124 = arith.constant 0 : i32
      %dma_start3A_125 = tpu.memref_slice %arg4[%squeeze3A_108, %squeeze3A_110, %dma_start3A_124] : memref<125000x8x64xf32, #tpu.memory_space<hbm>> -> memref<1x1x64xf32, #tpu.memory_space<hbm>>
      %dma_start3A_126 = tpu.memref_squeeze %dma_start3A_125 : memref<1x1x64xf32, #tpu.memory_space<hbm>> -> memref<64xf32, #tpu.memory_space<hbm>>
      tpu.enqueue_dma source(%dma_start3A_126 : memref<64xf32, #tpu.memory_space<hbm>>) target(%dma_start3A_123 : memref<64xf32, #tpu.memory_space<vmem>>) target_semaphore(%arg9 : memref<!tpu.dma_semaphore, #tpu.memory_space<semaphore_mem>>)
      %mul3A_127 = arith.constant 16 : i32
      %mul3A_128 = arith.muli %scan3A_16, %mul3A_127 : i32
      %add3A_129 = arith.constant 4 : i32
      %add3A_130 = arith.addi %mul3A_128, %add3A_129 : i32
      %slice3A_131 = vector.extract_strided_slice %shift_right_logical3A_31 {offsets = [4], sizes = [1], strides = [1]} : vector<16xi32> to vector<1xi32>
      %squeeze3A_132 = vector.extract %slice3A_131[0] : i32 from vector<1xi32>
      %slice3A_133 = vector.extract_strided_slice %and3A_33 {offsets = [4], sizes = [1], strides = [1]} : vector<16xi32> to vector<1xi32>
      %squeeze3A_134 = vector.extract %slice3A_133[0] : i32 from vector<1xi32>
      %shift_right_logical3A_135 = arith.constant 3 : i32
      %shift_right_logical3A_136 = arith.shrui %add3A_130, %shift_right_logical3A_135 : i32
      %and3A_137 = arith.constant 7 : i32
      %and3A_138 = arith.andi %add3A_130, %and3A_137 : i32
      %dma_start3A_139 = arith.constant 0 : i32
      %dma_start3A_140 = tpu.memref_slice %arg8[%shift_right_logical3A_136, %and3A_138, %dma_start3A_139] : memref<64x8x64xf32, #tpu.memory_space<vmem>> -> memref<1x1x64xf32, #tpu.memory_space<vmem>>
      %dma_start3A_141 = tpu.memref_squeeze %dma_start3A_140 : memref<1x1x64xf32, #tpu.memory_space<vmem>> -> memref<64xf32, #tpu.memory_space<vmem>>
      %dma_start3A_142 = arith.constant 0 : i32
      %dma_start3A_143 = tpu.memref_slice %arg4[%squeeze3A_132, %squeeze3A_134, %dma_start3A_142] : memref<125000x8x64xf32, #tpu.memory_space<hbm>> -> memref<1x1x64xf32, #tpu.memory_space<hbm>>
      %dma_start3A_144 = tpu.memref_squeeze %dma_start3A_143 : memref<1x1x64xf32, #tpu.memory_space<hbm>> -> memref<64xf32, #tpu.memory_space<hbm>>
      %dma_start3A_145 = arith.constant 0 : i32
      %dma_start3A_146 = tpu.memref_slice %arg8[%shift_right_logical3A_136, %and3A_138, %dma_start3A_145] : memref<64x8x64xf32, #tpu.memory_space<vmem>> -> memref<1x1x64xf32, #tpu.memory_space<vmem>>
      %dma_start3A_147 = tpu.memref_squeeze %dma_start3A_146 : memref<1x1x64xf32, #tpu.memory_space<vmem>> -> memref<64xf32, #tpu.memory_space<vmem>>
      %dma_start3A_148 = arith.constant 0 : i32
      %dma_start3A_149 = tpu.memref_slice %arg4[%squeeze3A_132, %squeeze3A_134, %dma_start3A_148] : memref<125000x8x64xf32, #tpu.memory_space<hbm>> -> memref<1x1x64xf32, #tpu.memory_space<hbm>>
      %dma_start3A_150 = tpu.memref_squeeze %dma_start3A_149 : memref<1x1x64xf32, #tpu.memory_space<hbm>> -> memref<64xf32, #tpu.memory_space<hbm>>
      tpu.enqueue_dma source(%dma_start3A_150 : memref<64xf32, #tpu.memory_space<hbm>>) target(%dma_start3A_147 : memref<64xf32, #tpu.memory_space<vmem>>) target_semaphore(%arg9 : memref<!tpu.dma_semaphore, #tpu.memory_space<semaphore_mem>>)
      %mul3A_151 = arith.constant 16 : i32
      %mul3A_152 = arith.muli %scan3A_16, %mul3A_151 : i32
      %add3A_153 = arith.constant 5 : i32
      %add3A_154 = arith.addi %mul3A_152, %add3A_153 : i32
      %slice3A_155 = vector.extract_strided_slice %shift_right_logical3A_31 {offsets = [5], sizes = [1], strides = [1]} : vector<16xi32> to vector<1xi32>
      %squeeze3A_156 = vector.extract %slice3A_155[0] : i32 from vector<1xi32>
      %slice3A_157 = vector.extract_strided_slice %and3A_33 {offsets = [5], sizes = [1], strides = [1]} : vector<16xi32> to vector<1xi32>
      %squeeze3A_158 = vector.extract %slice3A_157[0] : i32 from vector<1xi32>
      %shift_right_logical3A_159 = arith.constant 3 : i32
      %shift_right_logical3A_160 = arith.shrui %add3A_154, %shift_right_logical3A_159 : i32
      %and3A_161 = arith.constant 7 : i32
      %and3A_162 = arith.andi %add3A_154, %and3A_161 : i32
      %dma_start3A_163 = arith.constant 0 : i32
      %dma_start3A_164 = tpu.memref_slice %arg8[%shift_right_logical3A_160, %and3A_162, %dma_start3A_163] : memref<64x8x64xf32, #tpu.memory_space<vmem>> -> memref<1x1x64xf32, #tpu.memory_space<vmem>>
      %dma_start3A_165 = tpu.memref_squeeze %dma_start3A_164 : memref<1x1x64xf32, #tpu.memory_space<vmem>> -> memref<64xf32, #tpu.memory_space<vmem>>
      %dma_start3A_166 = arith.constant 0 : i32
      %dma_start3A_167 = tpu.memref_slice %arg4[%squeeze3A_156, %squeeze3A_158, %dma_start3A_166] : memref<125000x8x64xf32, #tpu.memory_space<hbm>> -> memref<1x1x64xf32, #tpu.memory_space<hbm>>
      %dma_start3A_168 = tpu.memref_squeeze %dma_start3A_167 : memref<1x1x64xf32, #tpu.memory_space<hbm>> -> memref<64xf32, #tpu.memory_space<hbm>>
      %dma_start3A_169 = arith.constant 0 : i32
      %dma_start3A_170 = tpu.memref_slice %arg8[%shift_right_logical3A_160, %and3A_162, %dma_start3A_169] : memref<64x8x64xf32, #tpu.memory_space<vmem>> -> memref<1x1x64xf32, #tpu.memory_space<vmem>>
      %dma_start3A_171 = tpu.memref_squeeze %dma_start3A_170 : memref<1x1x64xf32, #tpu.memory_space<vmem>> -> memref<64xf32, #tpu.memory_space<vmem>>
      %dma_start3A_172 = arith.constant 0 : i32
      %dma_start3A_173 = tpu.memref_slice %arg4[%squeeze3A_156, %squeeze3A_158, %dma_start3A_172] : memref<125000x8x64xf32, #tpu.memory_space<hbm>> -> memref<1x1x64xf32, #tpu.memory_space<hbm>>
      %dma_start3A_174 = tpu.memref_squeeze %dma_start3A_173 : memref<1x1x64xf32, #tpu.memory_space<hbm>> -> memref<64xf32, #tpu.memory_space<hbm>>
      tpu.enqueue_dma source(%dma_start3A_174 : memref<64xf32, #tpu.memory_space<hbm>>) target(%dma_start3A_171 : memref<64xf32, #tpu.memory_space<vmem>>) target_semaphore(%arg9 : memref<!tpu.dma_semaphore, #tpu.memory_space<semaphore_mem>>)
      %mul3A_175 = arith.constant 16 : i32
      %mul3A_176 = arith.muli %scan3A_16, %mul3A_175 : i32
      %add3A_177 = arith.constant 6 : i32
      %add3A_178 = arith.addi %mul3A_176, %add3A_177 : i32
      %slice3A_179 = vector.extract_strided_slice %shift_right_logical3A_31 {offsets = [6], sizes = [1], strides = [1]} : vector<16xi32> to vector<1xi32>
      %squeeze3A_180 = vector.extract %slice3A_179[0] : i32 from vector<1xi32>
      %slice3A_181 = vector.extract_strided_slice %and3A_33 {offsets = [6], sizes = [1], strides = [1]} : vector<16xi32> to vector<1xi32>
      %squeeze3A_182 = vector.extract %slice3A_181[0] : i32 from vector<1xi32>
      %shift_right_logical3A_183 = arith.constant 3 : i32
      %shift_right_logical3A_184 = arith.shrui %add3A_178, %shift_right_logical3A_183 : i32
      %and3A_185 = arith.constant 7 : i32
      %and3A_186 = arith.andi %add3A_178, %and3A_185 : i32
      %dma_start3A_187 = arith.constant 0 : i32
      %dma_start3A_188 = tpu.memref_slice %arg8[%shift_right_logical3A_184, %and3A_186, %dma_start3A_187] : memref<64x8x64xf32, #tpu.memory_space<vmem>> -> memref<1x1x64xf32, #tpu.memory_space<vmem>>
      %dma_start3A_189 = tpu.memref_squeeze %dma_start3A_188 : memref<1x1x64xf32, #tpu.memory_space<vmem>> -> memref<64xf32, #tpu.memory_space<vmem>>
      %dma_start3A_190 = arith.constant 0 : i32
      %dma_start3A_191 = tpu.memref_slice %arg4[%squeeze3A_180, %squeeze3A_182, %dma_start3A_190] : memref<125000x8x64xf32, #tpu.memory_space<hbm>> -> memref<1x1x64xf32, #tpu.memory_space<hbm>>
      %dma_start3A_192 = tpu.memref_squeeze %dma_start3A_191 : memref<1x1x64xf32, #tpu.memory_space<hbm>> -> memref<64xf32, #tpu.memory_space<hbm>>
      %dma_start3A_193 = arith.constant 0 : i32
      %dma_start3A_194 = tpu.memref_slice %arg8[%shift_right_logical3A_184, %and3A_186, %dma_start3A_193] : memref<64x8x64xf32, #tpu.memory_space<vmem>> -> memref<1x1x64xf32, #tpu.memory_space<vmem>>
      %dma_start3A_195 = tpu.memref_squeeze %dma_start3A_194 : memref<1x1x64xf32, #tpu.memory_space<vmem>> -> memref<64xf32, #tpu.memory_space<vmem>>
      %dma_start3A_196 = arith.constant 0 : i32
      %dma_start3A_197 = tpu.memref_slice %arg4[%squeeze3A_180, %squeeze3A_182, %dma_start3A_196] : memref<125000x8x64xf32, #tpu.memory_space<hbm>> -> memref<1x1x64xf32, #tpu.memory_space<hbm>>
      %dma_start3A_198 = tpu.memref_squeeze %dma_start3A_197 : memref<1x1x64xf32, #tpu.memory_space<hbm>> -> memref<64xf32, #tpu.memory_space<hbm>>
      tpu.enqueue_dma source(%dma_start3A_198 : memref<64xf32, #tpu.memory_space<hbm>>) target(%dma_start3A_195 : memref<64xf32, #tpu.memory_space<vmem>>) target_semaphore(%arg9 : memref<!tpu.dma_semaphore, #tpu.memory_space<semaphore_mem>>)
      %mul3A_199 = arith.constant 16 : i32
      %mul3A_200 = arith.muli %scan3A_16, %mul3A_199 : i32
      %add3A_201 = arith.constant 7 : i32
      %add3A_202 = arith.addi %mul3A_200, %add3A_201 : i32
      %slice3A_203 = vector.extract_strided_slice %shift_right_logical3A_31 {offsets = [7], sizes = [1], strides = [1]} : vector<16xi32> to vector<1xi32>
      %squeeze3A_204 = vector.extract %slice3A_203[0] : i32 from vector<1xi32>
      %slice3A_205 = vector.extract_strided_slice %and3A_33 {offsets = [7], sizes = [1], strides = [1]} : vector<16xi32> to vector<1xi32>
      %squeeze3A_206 = vector.extract %slice3A_205[0] : i32 from vector<1xi32>
      %shift_right_logical3A_207 = arith.constant 3 : i32
      %shift_right_logical3A_208 = arith.shrui %add3A_202, %shift_right_logical3A_207 : i32
      %and3A_209 = arith.constant 7 : i32
      %and3A_210 = arith.andi %add3A_202, %and3A_209 : i32
      %dma_start3A_211 = arith.constant 0 : i32
      %dma_start3A_212 = tpu.memref_slice %arg8[%shift_right_logical3A_208, %and3A_210, %dma_start3A_211] : memref<64x8x64xf32, #tpu.memory_space<vmem>> -> memref<1x1x64xf32, #tpu.memory_space<vmem>>
      %dma_start3A_213 = tpu.memref_squeeze %dma_start3A_212 : memref<1x1x64xf32, #tpu.memory_space<vmem>> -> memref<64xf32, #tpu.memory_space<vmem>>
      %dma_start3A_214 = arith.constant 0 : i32
      %dma_start3A_215 = tpu.memref_slice %arg4[%squeeze3A_204, %squeeze3A_206, %dma_start3A_214] : memref<125000x8x64xf32, #tpu.memory_space<hbm>> -> memref<1x1x64xf32, #tpu.memory_space<hbm>>
      %dma_start3A_216 = tpu.memref_squeeze %dma_start3A_215 : memref<1x1x64xf32, #tpu.memory_space<hbm>> -> memref<64xf32, #tpu.memory_space<hbm>>
      %dma_start3A_217 = arith.constant 0 : i32
      %dma_start3A_218 = tpu.memref_slice %arg8[%shift_right_logical3A_208, %and3A_210, %dma_start3A_217] : memref<64x8x64xf32, #tpu.memory_space<vmem>> -> memref<1x1x64xf32, #tpu.memory_space<vmem>>
      %dma_start3A_219 = tpu.memref_squeeze %dma_start3A_218 : memref<1x1x64xf32, #tpu.memory_space<vmem>> -> memref<64xf32, #tpu.memory_space<vmem>>
      %dma_start3A_220 = arith.constant 0 : i32
      %dma_start3A_221 = tpu.memref_slice %arg4[%squeeze3A_204, %squeeze3A_206, %dma_start3A_220] : memref<125000x8x64xf32, #tpu.memory_space<hbm>> -> memref<1x1x64xf32, #tpu.memory_space<hbm>>
      %dma_start3A_222 = tpu.memref_squeeze %dma_start3A_221 : memref<1x1x64xf32, #tpu.memory_space<hbm>> -> memref<64xf32, #tpu.memory_space<hbm>>
      tpu.enqueue_dma source(%dma_start3A_222 : memref<64xf32, #tpu.memory_space<hbm>>) target(%dma_start3A_219 : memref<64xf32, #tpu.memory_space<vmem>>) target_semaphore(%arg9 : memref<!tpu.dma_semaphore, #tpu.memory_space<semaphore_mem>>)
      %mul3A_223 = arith.constant 16 : i32
      %mul3A_224 = arith.muli %scan3A_16, %mul3A_223 : i32
      %add3A_225 = arith.constant 8 : i32
      %add3A_226 = arith.addi %mul3A_224, %add3A_225 : i32
      %slice3A_227 = vector.extract_strided_slice %shift_right_logical3A_31 {offsets = [8], sizes = [1], strides = [1]} : vector<16xi32> to vector<1xi32>
      %squeeze3A_228 = vector.extract %slice3A_227[0] : i32 from vector<1xi32>
      %slice3A_229 = vector.extract_strided_slice %and3A_33 {offsets = [8], sizes = [1], strides = [1]} : vector<16xi32> to vector<1xi32>
      %squeeze3A_230 = vector.extract %slice3A_229[0] : i32 from vector<1xi32>
      %shift_right_logical3A_231 = arith.constant 3 : i32
      %shift_right_logical3A_232 = arith.shrui %add3A_226, %shift_right_logical3A_231 : i32
      %and3A_233 = arith.constant 7 : i32
      %and3A_234 = arith.andi %add3A_226, %and3A_233 : i32
      %dma_start3A_235 = arith.constant 0 : i32
      %dma_start3A_236 = tpu.memref_slice %arg8[%shift_right_logical3A_232, %and3A_234, %dma_start3A_235] : memref<64x8x64xf32, #tpu.memory_space<vmem>> -> memref<1x1x64xf32, #tpu.memory_space<vmem>>
      %dma_start3A_237 = tpu.memref_squeeze %dma_start3A_236 : memref<1x1x64xf32, #tpu.memory_space<vmem>> -> memref<64xf32, #tpu.memory_space<vmem>>
      %dma_start3A_238 = arith.constant 0 : i32
      %dma_start3A_239 = tpu.memref_slice %arg4[%squeeze3A_228, %squeeze3A_230, %dma_start3A_238] : memref<125000x8x64xf32, #tpu.memory_space<hbm>> -> memref<1x1x64xf32, #tpu.memory_space<hbm>>
      %dma_start3A_240 = tpu.memref_squeeze %dma_start3A_239 : memref<1x1x64xf32, #tpu.memory_space<hbm>> -> memref<64xf32, #tpu.memory_space<hbm>>
      %dma_start3A_241 = arith.constant 0 : i32
      %dma_start3A_242 = tpu.memref_slice %arg8[%shift_right_logical3A_232, %and3A_234, %dma_start3A_241] : memref<64x8x64xf32, #tpu.memory_space<vmem>> -> memref<1x1x64xf32, #tpu.memory_space<vmem>>
      %dma_start3A_243 = tpu.memref_squeeze %dma_start3A_242 : memref<1x1x64xf32, #tpu.memory_space<vmem>> -> memref<64xf32, #tpu.memory_space<vmem>>
      %dma_start3A_244 = arith.constant 0 : i32
      %dma_start3A_245 = tpu.memref_slice %arg4[%squeeze3A_228, %squeeze3A_230, %dma_start3A_244] : memref<125000x8x64xf32, #tpu.memory_space<hbm>> -> memref<1x1x64xf32, #tpu.memory_space<hbm>>
      %dma_start3A_246 = tpu.memref_squeeze %dma_start3A_245 : memref<1x1x64xf32, #tpu.memory_space<hbm>> -> memref<64xf32, #tpu.memory_space<hbm>>
      tpu.enqueue_dma source(%dma_start3A_246 : memref<64xf32, #tpu.memory_space<hbm>>) target(%dma_start3A_243 : memref<64xf32, #tpu.memory_space<vmem>>) target_semaphore(%arg9 : memref<!tpu.dma_semaphore, #tpu.memory_space<semaphore_mem>>)
      %mul3A_247 = arith.constant 16 : i32
      %mul3A_248 = arith.muli %scan3A_16, %mul3A_247 : i32
      %add3A_249 = arith.constant 9 : i32
      %add3A_250 = arith.addi %mul3A_248, %add3A_249 : i32
      %slice3A_251 = vector.extract_strided_slice %shift_right_logical3A_31 {offsets = [9], sizes = [1], strides = [1]} : vector<16xi32> to vector<1xi32>
      %squeeze3A_252 = vector.extract %slice3A_251[0] : i32 from vector<1xi32>
      %slice3A_253 = vector.extract_strided_slice %and3A_33 {offsets = [9], sizes = [1], strides = [1]} : vector<16xi32> to vector<1xi32>
      %squeeze3A_254 = vector.extract %slice3A_253[0] : i32 from vector<1xi32>
      %shift_right_logical3A_255 = arith.constant 3 : i32
      %shift_right_logical3A_256 = arith.shrui %add3A_250, %shift_right_logical3A_255 : i32
      %and3A_257 = arith.constant 7 : i32
      %and3A_258 = arith.andi %add3A_250, %and3A_257 : i32
      %dma_start3A_259 = arith.constant 0 : i32
      %dma_start3A_260 = tpu.memref_slice %arg8[%shift_right_logical3A_256, %and3A_258, %dma_start3A_259] : memref<64x8x64xf32, #tpu.memory_space<vmem>> -> memref<1x1x64xf32, #tpu.memory_space<vmem>>
      %dma_start3A_261 = tpu.memref_squeeze %dma_start3A_260 : memref<1x1x64xf32, #tpu.memory_space<vmem>> -> memref<64xf32, #tpu.memory_space<vmem>>
      %dma_start3A_262 = arith.constant 0 : i32
      %dma_start3A_263 = tpu.memref_slice %arg4[%squeeze3A_252, %squeeze3A_254, %dma_start3A_262] : memref<125000x8x64xf32, #tpu.memory_space<hbm>> -> memref<1x1x64xf32, #tpu.memory_space<hbm>>
      %dma_start3A_264 = tpu.memref_squeeze %dma_start3A_263 : memref<1x1x64xf32, #tpu.memory_space<hbm>> -> memref<64xf32, #tpu.memory_space<hbm>>
      %dma_start3A_265 = arith.constant 0 : i32
      %dma_start3A_266 = tpu.memref_slice %arg8[%shift_right_logical3A_256, %and3A_258, %dma_start3A_265] : memref<64x8x64xf32, #tpu.memory_space<vmem>> -> memref<1x1x64xf32, #tpu.memory_space<vmem>>
      %dma_start3A_267 = tpu.memref_squeeze %dma_start3A_266 : memref<1x1x64xf32, #tpu.memory_space<vmem>> -> memref<64xf32, #tpu.memory_space<vmem>>
      %dma_start3A_268 = arith.constant 0 : i32
      %dma_start3A_269 = tpu.memref_slice %arg4[%squeeze3A_252, %squeeze3A_254, %dma_start3A_268] : memref<125000x8x64xf32, #tpu.memory_space<hbm>> -> memref<1x1x64xf32, #tpu.memory_space<hbm>>
      %dma_start3A_270 = tpu.memref_squeeze %dma_start3A_269 : memref<1x1x64xf32, #tpu.memory_space<hbm>> -> memref<64xf32, #tpu.memory_space<hbm>>
      tpu.enqueue_dma source(%dma_start3A_270 : memref<64xf32, #tpu.memory_space<hbm>>) target(%dma_start3A_267 : memref<64xf32, #tpu.memory_space<vmem>>) target_semaphore(%arg9 : memref<!tpu.dma_semaphore, #tpu.memory_space<semaphore_mem>>)
      %mul3A_271 = arith.constant 16 : i32
      %mul3A_272 = arith.muli %scan3A_16, %mul3A_271 : i32
      %add3A_273 = arith.constant 10 : i32
      %add3A_274 = arith.addi %mul3A_272, %add3A_273 : i32
      %slice3A_275 = vector.extract_strided_slice %shift_right_logical3A_31 {offsets = [10], sizes = [1], strides = [1]} : vector<16xi32> to vector<1xi32>
      %squeeze3A_276 = vector.extract %slice3A_275[0] : i32 from vector<1xi32>
      %slice3A_277 = vector.extract_strided_slice %and3A_33 {offsets = [10], sizes = [1], strides = [1]} : vector<16xi32> to vector<1xi32>
      %squeeze3A_278 = vector.extract %slice3A_277[0] : i32 from vector<1xi32>
      %shift_right_logical3A_279 = arith.constant 3 : i32
      %shift_right_logical3A_280 = arith.shrui %add3A_274, %shift_right_logical3A_279 : i32
      %and3A_281 = arith.constant 7 : i32
      %and3A_282 = arith.andi %add3A_274, %and3A_281 : i32
      %dma_start3A_283 = arith.constant 0 : i32
      %dma_start3A_284 = tpu.memref_slice %arg8[%shift_right_logical3A_280, %and3A_282, %dma_start3A_283] : memref<64x8x64xf32, #tpu.memory_space<vmem>> -> memref<1x1x64xf32, #tpu.memory_space<vmem>>
      %dma_start3A_285 = tpu.memref_squeeze %dma_start3A_284 : memref<1x1x64xf32, #tpu.memory_space<vmem>> -> memref<64xf32, #tpu.memory_space<vmem>>
      %dma_start3A_286 = arith.constant 0 : i32
      %dma_start3A_287 = tpu.memref_slice %arg4[%squeeze3A_276, %squeeze3A_278, %dma_start3A_286] : memref<125000x8x64xf32, #tpu.memory_space<hbm>> -> memref<1x1x64xf32, #tpu.memory_space<hbm>>
      %dma_start3A_288 = tpu.memref_squeeze %dma_start3A_287 : memref<1x1x64xf32, #tpu.memory_space<hbm>> -> memref<64xf32, #tpu.memory_space<hbm>>
      %dma_start3A_289 = arith.constant 0 : i32
      %dma_start3A_290 = tpu.memref_slice %arg8[%shift_right_logical3A_280, %and3A_282, %dma_start3A_289] : memref<64x8x64xf32, #tpu.memory_space<vmem>> -> memref<1x1x64xf32, #tpu.memory_space<vmem>>
      %dma_start3A_291 = tpu.memref_squeeze %dma_start3A_290 : memref<1x1x64xf32, #tpu.memory_space<vmem>> -> memref<64xf32, #tpu.memory_space<vmem>>
      %dma_start3A_292 = arith.constant 0 : i32
      %dma_start3A_293 = tpu.memref_slice %arg4[%squeeze3A_276, %squeeze3A_278, %dma_start3A_292] : memref<125000x8x64xf32, #tpu.memory_space<hbm>> -> memref<1x1x64xf32, #tpu.memory_space<hbm>>
      %dma_start3A_294 = tpu.memref_squeeze %dma_start3A_293 : memref<1x1x64xf32, #tpu.memory_space<hbm>> -> memref<64xf32, #tpu.memory_space<hbm>>
      tpu.enqueue_dma source(%dma_start3A_294 : memref<64xf32, #tpu.memory_space<hbm>>) target(%dma_start3A_291 : memref<64xf32, #tpu.memory_space<vmem>>) target_semaphore(%arg9 : memref<!tpu.dma_semaphore, #tpu.memory_space<semaphore_mem>>)
      %mul3A_295 = arith.constant 16 : i32
      %mul3A_296 = arith.muli %scan3A_16, %mul3A_295 : i32
      %add3A_297 = arith.constant 11 : i32
      %add3A_298 = arith.addi %mul3A_296, %add3A_297 : i32
      %slice3A_299 = vector.extract_strided_slice %shift_right_logical3A_31 {offsets = [11], sizes = [1], strides = [1]} : vector<16xi32> to vector<1xi32>
      %squeeze3A_300 = vector.extract %slice3A_299[0] : i32 from vector<1xi32>
      %slice3A_301 = vector.extract_strided_slice %and3A_33 {offsets = [11], sizes = [1], strides = [1]} : vector<16xi32> to vector<1xi32>
      %squeeze3A_302 = vector.extract %slice3A_301[0] : i32 from vector<1xi32>
      %shift_right_logical3A_303 = arith.constant 3 : i32
      %shift_right_logical3A_304 = arith.shrui %add3A_298, %shift_right_logical3A_303 : i32
      %and3A_305 = arith.constant 7 : i32
      %and3A_306 = arith.andi %add3A_298, %and3A_305 : i32
      %dma_start3A_307 = arith.constant 0 : i32
      %dma_start3A_308 = tpu.memref_slice %arg8[%shift_right_logical3A_304, %and3A_306, %dma_start3A_307] : memref<64x8x64xf32, #tpu.memory_space<vmem>> -> memref<1x1x64xf32, #tpu.memory_space<vmem>>
      %dma_start3A_309 = tpu.memref_squeeze %dma_start3A_308 : memref<1x1x64xf32, #tpu.memory_space<vmem>> -> memref<64xf32, #tpu.memory_space<vmem>>
      %dma_start3A_310 = arith.constant 0 : i32
      %dma_start3A_311 = tpu.memref_slice %arg4[%squeeze3A_300, %squeeze3A_302, %dma_start3A_310] : memref<125000x8x64xf32, #tpu.memory_space<hbm>> -> memref<1x1x64xf32, #tpu.memory_space<hbm>>
      %dma_start3A_312 = tpu.memref_squeeze %dma_start3A_311 : memref<1x1x64xf32, #tpu.memory_space<hbm>> -> memref<64xf32, #tpu.memory_space<hbm>>
      %dma_start3A_313 = arith.constant 0 : i32
      %dma_start3A_314 = tpu.memref_slice %arg8[%shift_right_logical3A_304, %and3A_306, %dma_start3A_313] : memref<64x8x64xf32, #tpu.memory_space<vmem>> -> memref<1x1x64xf32, #tpu.memory_space<vmem>>
      %dma_start3A_315 = tpu.memref_squeeze %dma_start3A_314 : memref<1x1x64xf32, #tpu.memory_space<vmem>> -> memref<64xf32, #tpu.memory_space<vmem>>
      %dma_start3A_316 = arith.constant 0 : i32
      %dma_start3A_317 = tpu.memref_slice %arg4[%squeeze3A_300, %squeeze3A_302, %dma_start3A_316] : memref<125000x8x64xf32, #tpu.memory_space<hbm>> -> memref<1x1x64xf32, #tpu.memory_space<hbm>>
      %dma_start3A_318 = tpu.memref_squeeze %dma_start3A_317 : memref<1x1x64xf32, #tpu.memory_space<hbm>> -> memref<64xf32, #tpu.memory_space<hbm>>
      tpu.enqueue_dma source(%dma_start3A_318 : memref<64xf32, #tpu.memory_space<hbm>>) target(%dma_start3A_315 : memref<64xf32, #tpu.memory_space<vmem>>) target_semaphore(%arg9 : memref<!tpu.dma_semaphore, #tpu.memory_space<semaphore_mem>>)
      %mul3A_319 = arith.constant 16 : i32
      %mul3A_320 = arith.muli %scan3A_16, %mul3A_319 : i32
      %add3A_321 = arith.constant 12 : i32
      %add3A_322 = arith.addi %mul3A_320, %add3A_321 : i32
      %slice3A_323 = vector.extract_strided_slice %shift_right_logical3A_31 {offsets = [12], sizes = [1], strides = [1]} : vector<16xi32> to vector<1xi32>
      %squeeze3A_324 = vector.extract %slice3A_323[0] : i32 from vector<1xi32>
      %slice3A_325 = vector.extract_strided_slice %and3A_33 {offsets = [12], sizes = [1], strides = [1]} : vector<16xi32> to vector<1xi32>
      %squeeze3A_326 = vector.extract %slice3A_325[0] : i32 from vector<1xi32>
      %shift_right_logical3A_327 = arith.constant 3 : i32
      %shift_right_logical3A_328 = arith.shrui %add3A_322, %shift_right_logical3A_327 : i32
      %and3A_329 = arith.constant 7 : i32
      %and3A_330 = arith.andi %add3A_322, %and3A_329 : i32
      %dma_start3A_331 = arith.constant 0 : i32
      %dma_start3A_332 = tpu.memref_slice %arg8[%shift_right_logical3A_328, %and3A_330, %dma_start3A_331] : memref<64x8x64xf32, #tpu.memory_space<vmem>> -> memref<1x1x64xf32, #tpu.memory_space<vmem>>
      %dma_start3A_333 = tpu.memref_squeeze %dma_start3A_332 : memref<1x1x64xf32, #tpu.memory_space<vmem>> -> memref<64xf32, #tpu.memory_space<vmem>>
      %dma_start3A_334 = arith.constant 0 : i32
      %dma_start3A_335 = tpu.memref_slice %arg4[%squeeze3A_324, %squeeze3A_326, %dma_start3A_334] : memref<125000x8x64xf32, #tpu.memory_space<hbm>> -> memref<1x1x64xf32, #tpu.memory_space<hbm>>
      %dma_start3A_336 = tpu.memref_squeeze %dma_start3A_335 : memref<1x1x64xf32, #tpu.memory_space<hbm>> -> memref<64xf32, #tpu.memory_space<hbm>>
      %dma_start3A_337 = arith.constant 0 : i32
      %dma_start3A_338 = tpu.memref_slice %arg8[%shift_right_logical3A_328, %and3A_330, %dma_start3A_337] : memref<64x8x64xf32, #tpu.memory_space<vmem>> -> memref<1x1x64xf32, #tpu.memory_space<vmem>>
      %dma_start3A_339 = tpu.memref_squeeze %dma_start3A_338 : memref<1x1x64xf32, #tpu.memory_space<vmem>> -> memref<64xf32, #tpu.memory_space<vmem>>
      %dma_start3A_340 = arith.constant 0 : i32
      %dma_start3A_341 = tpu.memref_slice %arg4[%squeeze3A_324, %squeeze3A_326, %dma_start3A_340] : memref<125000x8x64xf32, #tpu.memory_space<hbm>> -> memref<1x1x64xf32, #tpu.memory_space<hbm>>
      %dma_start3A_342 = tpu.memref_squeeze %dma_start3A_341 : memref<1x1x64xf32, #tpu.memory_space<hbm>> -> memref<64xf32, #tpu.memory_space<hbm>>
      tpu.enqueue_dma source(%dma_start3A_342 : memref<64xf32, #tpu.memory_space<hbm>>) target(%dma_start3A_339 : memref<64xf32, #tpu.memory_space<vmem>>) target_semaphore(%arg9 : memref<!tpu.dma_semaphore, #tpu.memory_space<semaphore_mem>>)
      %mul3A_343 = arith.constant 16 : i32
      %mul3A_344 = arith.muli %scan3A_16, %mul3A_343 : i32
      %add3A_345 = arith.constant 13 : i32
      %add3A_346 = arith.addi %mul3A_344, %add3A_345 : i32
      %slice3A_347 = vector.extract_strided_slice %shift_right_logical3A_31 {offsets = [13], sizes = [1], strides = [1]} : vector<16xi32> to vector<1xi32>
      %squeeze3A_348 = vector.extract %slice3A_347[0] : i32 from vector<1xi32>
      %slice3A_349 = vector.extract_strided_slice %and3A_33 {offsets = [13], sizes = [1], strides = [1]} : vector<16xi32> to vector<1xi32>
      %squeeze3A_350 = vector.extract %slice3A_349[0] : i32 from vector<1xi32>
      %shift_right_logical3A_351 = arith.constant 3 : i32
      %shift_right_logical3A_352 = arith.shrui %add3A_346, %shift_right_logical3A_351 : i32
      %and3A_353 = arith.constant 7 : i32
      %and3A_354 = arith.andi %add3A_346, %and3A_353 : i32
      %dma_start3A_355 = arith.constant 0 : i32
      %dma_start3A_356 = tpu.memref_slice %arg8[%shift_right_logical3A_352, %and3A_354, %dma_start3A_355] : memref<64x8x64xf32, #tpu.memory_space<vmem>> -> memref<1x1x64xf32, #tpu.memory_space<vmem>>
      %dma_start3A_357 = tpu.memref_squeeze %dma_start3A_356 : memref<1x1x64xf32, #tpu.memory_space<vmem>> -> memref<64xf32, #tpu.memory_space<vmem>>
      %dma_start3A_358 = arith.constant 0 : i32
      %dma_start3A_359 = tpu.memref_slice %arg4[%squeeze3A_348, %squeeze3A_350, %dma_start3A_358] : memref<125000x8x64xf32, #tpu.memory_space<hbm>> -> memref<1x1x64xf32, #tpu.memory_space<hbm>>
      %dma_start3A_360 = tpu.memref_squeeze %dma_start3A_359 : memref<1x1x64xf32, #tpu.memory_space<hbm>> -> memref<64xf32, #tpu.memory_space<hbm>>
      %dma_start3A_361 = arith.constant 0 : i32
      %dma_start3A_362 = tpu.memref_slice %arg8[%shift_right_logical3A_352, %and3A_354, %dma_start3A_361] : memref<64x8x64xf32, #tpu.memory_space<vmem>> -> memref<1x1x64xf32, #tpu.memory_space<vmem>>
      %dma_start3A_363 = tpu.memref_squeeze %dma_start3A_362 : memref<1x1x64xf32, #tpu.memory_space<vmem>> -> memref<64xf32, #tpu.memory_space<vmem>>
      %dma_start3A_364 = arith.constant 0 : i32
      %dma_start3A_365 = tpu.memref_slice %arg4[%squeeze3A_348, %squeeze3A_350, %dma_start3A_364] : memref<125000x8x64xf32, #tpu.memory_space<hbm>> -> memref<1x1x64xf32, #tpu.memory_space<hbm>>
      %dma_start3A_366 = tpu.memref_squeeze %dma_start3A_365 : memref<1x1x64xf32, #tpu.memory_space<hbm>> -> memref<64xf32, #tpu.memory_space<hbm>>
      tpu.enqueue_dma source(%dma_start3A_366 : memref<64xf32, #tpu.memory_space<hbm>>) target(%dma_start3A_363 : memref<64xf32, #tpu.memory_space<vmem>>) target_semaphore(%arg9 : memref<!tpu.dma_semaphore, #tpu.memory_space<semaphore_mem>>)
      %mul3A_367 = arith.constant 16 : i32
      %mul3A_368 = arith.muli %scan3A_16, %mul3A_367 : i32
      %add3A_369 = arith.constant 14 : i32
      %add3A_370 = arith.addi %mul3A_368, %add3A_369 : i32
      %slice3A_371 = vector.extract_strided_slice %shift_right_logical3A_31 {offsets = [14], sizes = [1], strides = [1]} : vector<16xi32> to vector<1xi32>
      %squeeze3A_372 = vector.extract %slice3A_371[0] : i32 from vector<1xi32>
      %slice3A_373 = vector.extract_strided_slice %and3A_33 {offsets = [14], sizes = [1], strides = [1]} : vector<16xi32> to vector<1xi32>
      %squeeze3A_374 = vector.extract %slice3A_373[0] : i32 from vector<1xi32>
      %shift_right_logical3A_375 = arith.constant 3 : i32
      %shift_right_logical3A_376 = arith.shrui %add3A_370, %shift_right_logical3A_375 : i32
      %and3A_377 = arith.constant 7 : i32
      %and3A_378 = arith.andi %add3A_370, %and3A_377 : i32
      %dma_start3A_379 = arith.constant 0 : i32
      %dma_start3A_380 = tpu.memref_slice %arg8[%shift_right_logical3A_376, %and3A_378, %dma_start3A_379] : memref<64x8x64xf32, #tpu.memory_space<vmem>> -> memref<1x1x64xf32, #tpu.memory_space<vmem>>
      %dma_start3A_381 = tpu.memref_squeeze %dma_start3A_380 : memref<1x1x64xf32, #tpu.memory_space<vmem>> -> memref<64xf32, #tpu.memory_space<vmem>>
      %dma_start3A_382 = arith.constant 0 : i32
      %dma_start3A_383 = tpu.memref_slice %arg4[%squeeze3A_372, %squeeze3A_374, %dma_start3A_382] : memref<125000x8x64xf32, #tpu.memory_space<hbm>> -> memref<1x1x64xf32, #tpu.memory_space<hbm>>
      %dma_start3A_384 = tpu.memref_squeeze %dma_start3A_383 : memref<1x1x64xf32, #tpu.memory_space<hbm>> -> memref<64xf32, #tpu.memory_space<hbm>>
      %dma_start3A_385 = arith.constant 0 : i32
      %dma_start3A_386 = tpu.memref_slice %arg8[%shift_right_logical3A_376, %and3A_378, %dma_start3A_385] : memref<64x8x64xf32, #tpu.memory_space<vmem>> -> memref<1x1x64xf32, #tpu.memory_space<vmem>>
      %dma_start3A_387 = tpu.memref_squeeze %dma_start3A_386 : memref<1x1x64xf32, #tpu.memory_space<vmem>> -> memref<64xf32, #tpu.memory_space<vmem>>
      %dma_start3A_388 = arith.constant 0 : i32
      %dma_start3A_389 = tpu.memref_slice %arg4[%squeeze3A_372, %squeeze3A_374, %dma_start3A_388] : memref<125000x8x64xf32, #tpu.memory_space<hbm>> -> memref<1x1x64xf32, #tpu.memory_space<hbm>>
      %dma_start3A_390 = tpu.memref_squeeze %dma_start3A_389 : memref<1x1x64xf32, #tpu.memory_space<hbm>> -> memref<64xf32, #tpu.memory_space<hbm>>
      tpu.enqueue_dma source(%dma_start3A_390 : memref<64xf32, #tpu.memory_space<hbm>>) target(%dma_start3A_387 : memref<64xf32, #tpu.memory_space<vmem>>) target_semaphore(%arg9 : memref<!tpu.dma_semaphore, #tpu.memory_space<semaphore_mem>>)
      %mul3A_391 = arith.constant 16 : i32
      %mul3A_392 = arith.muli %scan3A_16, %mul3A_391 : i32
      %add3A_393 = arith.constant 15 : i32
      %add3A_394 = arith.addi %mul3A_392, %add3A_393 : i32
      %slice3A_395 = vector.extract_strided_slice %shift_right_logical3A_31 {offsets = [15], sizes = [1], strides = [1]} : vector<16xi32> to vector<1xi32>
      %squeeze3A_396 = vector.extract %slice3A_395[0] : i32 from vector<1xi32>
      %slice3A_397 = vector.extract_strided_slice %and3A_33 {offsets = [15], sizes = [1], strides = [1]} : vector<16xi32> to vector<1xi32>
      %squeeze3A_398 = vector.extract %slice3A_397[0] : i32 from vector<1xi32>
      %shift_right_logical3A_399 = arith.constant 3 : i32
      %shift_right_logical3A_400 = arith.shrui %add3A_394, %shift_right_logical3A_399 : i32
      %and3A_401 = arith.constant 7 : i32
      %and3A_402 = arith.andi %add3A_394, %and3A_401 : i32
      %dma_start3A_403 = arith.constant 0 : i32
      %dma_start3A_404 = tpu.memref_slice %arg8[%shift_right_logical3A_400, %and3A_402, %dma_start3A_403] : memref<64x8x64xf32, #tpu.memory_space<vmem>> -> memref<1x1x64xf32, #tpu.memory_space<vmem>>
      %dma_start3A_405 = tpu.memref_squeeze %dma_start3A_404 : memref<1x1x64xf32, #tpu.memory_space<vmem>> -> memref<64xf32, #tpu.memory_space<vmem>>
      %dma_start3A_406 = arith.constant 0 : i32
      %dma_start3A_407 = tpu.memref_slice %arg4[%squeeze3A_396, %squeeze3A_398, %dma_start3A_406] : memref<125000x8x64xf32, #tpu.memory_space<hbm>> -> memref<1x1x64xf32, #tpu.memory_space<hbm>>
      %dma_start3A_408 = tpu.memref_squeeze %dma_start3A_407 : memref<1x1x64xf32, #tpu.memory_space<hbm>> -> memref<64xf32, #tpu.memory_space<hbm>>
      %dma_start3A_409 = arith.constant 0 : i32
      %dma_start3A_410 = tpu.memref_slice %arg8[%shift_right_logical3A_400, %and3A_402, %dma_start3A_409] : memref<64x8x64xf32, #tpu.memory_space<vmem>> -> memref<1x1x64xf32, #tpu.memory_space<vmem>>
      %dma_start3A_411 = tpu.memref_squeeze %dma_start3A_410 : memref<1x1x64xf32, #tpu.memory_space<vmem>> -> memref<64xf32, #tpu.memory_space<vmem>>
      %dma_start3A_412 = arith.constant 0 : i32
      %dma_start3A_413 = tpu.memref_slice %arg4[%squeeze3A_396, %squeeze3A_398, %dma_start3A_412] : memref<125000x8x64xf32, #tpu.memory_space<hbm>> -> memref<1x1x64xf32, #tpu.memory_space<hbm>>
      %dma_start3A_414 = tpu.memref_squeeze %dma_start3A_413 : memref<1x1x64xf32, #tpu.memory_space<hbm>> -> memref<64xf32, #tpu.memory_space<hbm>>
      tpu.enqueue_dma source(%dma_start3A_414 : memref<64xf32, #tpu.memory_space<hbm>>) target(%dma_start3A_411 : memref<64xf32, #tpu.memory_space<vmem>>) target_semaphore(%arg9 : memref<!tpu.dma_semaphore, #tpu.memory_space<semaphore_mem>>)
    }
    %scan3A_6 = arith.constant 32 : i32
    %dma_wait3A = arith.constant 0 : i32
    %dma_wait3A_7 = arith.constant 0 : i32
    %dma_wait3A_8 = arith.constant 0 : i32
    %dma_wait3A_9 = tpu.memref_slice %arg4[%dma_wait3A, %dma_wait3A_7, %dma_wait3A_8] : memref<125000x8x64xf32, #tpu.memory_space<hbm>> -> memref<64x8x64xf32, #tpu.memory_space<hbm>>
    %dma_wait3A_10 = arith.constant 0 : i32
    %dma_wait3A_11 = arith.constant 0 : i32
    %dma_wait3A_12 = arith.constant 0 : i32
    %dma_wait3A_13 = tpu.memref_slice %arg4[%dma_wait3A_10, %dma_wait3A_11, %dma_wait3A_12] : memref<125000x8x64xf32, #tpu.memory_space<hbm>> -> memref<64x8x64xf32, #tpu.memory_space<hbm>>
    tpu.wait_dma2 semaphore(%arg9 : memref<!tpu.dma_semaphore, #tpu.memory_space<semaphore_mem>>) src(%dma_wait3A_13 : memref<64x8x64xf32, #tpu.memory_space<hbm>>) dst(%arg8 : memref<64x8x64xf32, #tpu.memory_space<vmem>>)
    %mul3A_14 = arith.constant 64 : i32
    %mul3A_15 = arith.muli %add3A, %mul3A_14 : i32
    "tpu.region"() ({
      %run_scoped3A = tpu.sem_alloc : memref<!tpu.dma_semaphore, #tpu.memory_space<semaphore_mem>>
      %dma_start3A = arith.constant 0 : i32
      %dma_start3A_16 = arith.constant 0 : i32
      %dma_start3A_17 = tpu.memref_slice %arg5[%mul3A_15, %dma_start3A, %dma_start3A_16] : memref<2048x8x64xf32, #tpu.memory_space<hbm>> -> memref<64x8x64xf32, #tpu.memory_space<hbm>>
      %dma_start3A_18 = arith.constant 0 : i32
      %dma_start3A_19 = arith.constant 0 : i32
      %dma_start3A_20 = tpu.memref_slice %arg5[%mul3A_15, %dma_start3A_18, %dma_start3A_19] : memref<2048x8x64xf32, #tpu.memory_space<hbm>> -> memref<64x8x64xf32, #tpu.memory_space<hbm>>
      tpu.enqueue_dma source(%arg8 : memref<64x8x64xf32, #tpu.memory_space<vmem>>) target(%dma_start3A_20 : memref<64x8x64xf32, #tpu.memory_space<hbm>>) target_semaphore(%run_scoped3A : memref<!tpu.dma_semaphore, #tpu.memory_space<semaphore_mem>>)
      %dma_wait3A_21 = arith.constant 0 : i32
      %dma_wait3A_22 = arith.constant 0 : i32
      %dma_wait3A_23 = tpu.memref_slice %arg5[%mul3A_15, %dma_wait3A_21, %dma_wait3A_22] : memref<2048x8x64xf32, #tpu.memory_space<hbm>> -> memref<64x8x64xf32, #tpu.memory_space<hbm>>
      %dma_wait3A_24 = arith.constant 0 : i32
      %dma_wait3A_25 = arith.constant 0 : i32
      %dma_wait3A_26 = tpu.memref_slice %arg5[%mul3A_15, %dma_wait3A_24, %dma_wait3A_25] : memref<2048x8x64xf32, #tpu.memory_space<hbm>> -> memref<64x8x64xf32, #tpu.memory_space<hbm>>
      tpu.wait_dma2 semaphore(%run_scoped3A : memref<!tpu.dma_semaphore, #tpu.memory_space<semaphore_mem>>) src(%arg8 : memref<64x8x64xf32, #tpu.memory_space<vmem>>) dst(%dma_wait3A_26 : memref<64x8x64xf32, #tpu.memory_space<hbm>>)
      tpu.yield
    }) : () -> ()
    return
  }
}

</mosaic_0001>

<sc_bundles>
// kernel: kernel.3.cloned.1.call-start
scs
__scs_entry_jumppad:
0x0: {  	(pc) =	sbr.rel $0x88, $3  }
0x1: {  	(tag) =	ssettag $0x0;
	lr =	simm.s32 $0x1  }
0x2: {  	[smem:$0x3F9E] =	sst lr;
	_ =	strace $0xD0000000  }
0x3: {  	_ = 	snop  }
0x4: {  	_ = 	snop  }
0x5: {  	_ = 	snop  }
0x6: {  	_ = 	snop  }
0x7: {  	_ = 	snop  }
__scs_overlays_trampoline_lowered:
0x8: {  	[smem:$0x3FAD] =	sst s0  }
0x9: {  	[smem:$0x3FAE] =	sst s1  }
0xa: {  	[smem:$0x3FAF] =	sst s2  }
0xb: {  	[smem:$0x3FB0] =	sst s3  }
0xc: {  	[smem:$0x3FB1] =	sst s4  }
0xd: {  	[smem:$0x3FB2] =	sst s5  }
0xe: {  	[smem:$0x3FB3] =	sst s6  }
0xf: {  	[smem:$0x3FB4] =	sst s7  }
0x10: {  	[smem:$0x3FB5] =	sst s8  }
0x11: {  	[smem:$0x3FB6] =	sst s9;
	s0 =	simm.s32 @!p0 $0x0  }
0x12: {  	s1 =	sld [smem:$0x3F9C];
	s0 =	simm.s32 @p0 $0x1  }
0x13: {  	[smem:$0x3FB7] =	sst s0;
	s0 =	simm.s32 @!p1 $0x0  }
0x14: {  	s2 =	sld [smem:$0x3F9B];
	s0 =	simm.s32 @p1 $0x1  }
0x15: {  	[smem:$0x3FB8] =	sst s0;
	s0 =	simm.s32 @!p2 $0x0  }
0x16: {  	s3 =	sld [smem:$0x3FDB];
	s0 =	simm.s32 @p2 $0x1  }
0x17: {  	s4 =	simm.s32 $0x1BF5;
	[smem:$0x3FBA] =	sst s0  }
0x18: {  	s0 =	sld [smem:$0x3F9D];
	_ =	swait.ge [sflag:s4], $0x0  }
0x19: {  	s7 =	sld [smem:$0x3F9E]  }
0x1a: {  	s8 =	sadd.s32 $0xFFFFE003, lr  }
0x1b: {  	s9 =	sadd.s32 $0xFFFFFEF7, lr;
	s5 =	simm.s32 $0xFFFFFFFF;
	p2 =	slt.u32 s8, $0xFFFFF086  }
0x1c: {  	p1 =	slt.u32 s9, $0xF7A;
	s5 =	simm.s32 @!p2 $0x0  }
0x1d: {  	s5 =	simm.s32 @p1 $0x1;
	p0 =	seq.s32 s7, s2  }
0x1e: {  	s7 =	smul.u32 @!p0 $0xF7A, s2;
	p2 =	seq.s32 @!p0 s5, $0x0  }
0x1f: {  	s9 =	smul.u32 $0xF7A, s1;
	s8 =	simm.s32 @!p0 $0x1BF5;
	p2 =	por !p2, p0  }
0x20: {  	[sflag:s8] =	ssyncset.s32 @!p0 $0xFFFFF086;
	s6 =	sadd.s32 @!p0 s3, s7;
	s7 =	simm.s32 @!p0 $0x108  }
0x21: {  	s3 =	sadd.s32 s3, s9;
	s6 =	sadd.s32 @!p0 $0x88, s6;
	s7 =	simm.s32 @p2 $0x1082  }
0x22: {  	[simem:s7], [sflag:s8] =	dma.local @!p0 [hbm:s6], $0xF7A  }
0x23: {  	s9 =	sor.u32 $0xD0000000, s2;
	s6 =	simm.s32 $0x108;
	_ =	swait.ge @!p0 [sflag:s8], $0x0  }
0x24: {  	s3 =	sadd.s32 $0x88, s3;
	s6 =	simm.s32 @!p1 $0x1082;
	[sflag:s4] =	ssyncset.s32 $0xFFFFF086  }
0x25: {  	[simem:s6], [sflag:s4] =	dma.local [hbm:s3], $0xF7A  }
0x26: {  	[smem:$0x3F9E] =	sst s1;
	(tag) =	ssettag s2;
	_ =	strace s9  }
0x27: {  	s1 =	sld [smem:$0x3FAE]  }
0x28: {  	s2 =	sld [smem:$0x3FAF]  }
0x29: {  	s4 =	sld [smem:$0x3FB1]  }
0x2a: {  	p0 =	seq.s32 s5, $0x0;
	s5 =	sld [smem:$0x3FB2]  }
0x2b: {  	s6 =	sld [smem:$0x3FB3]  }
0x2c: {  	s7 =	sld [smem:$0x3FB4]  }
0x2d: {  	s3 =	simm.s32 $0x108;
	s8 =	sld [smem:$0x3FB5]  }
0x2e: {  	s3 =	simm.s32 @!p0 $0x1082;
	s9 =	sld [smem:$0x3FB6]  }
0x2f: {  	lr =	sadd.s32 s0, s3;
	s0 =	sld [smem:$0x3FAD]  }
0x30: {  	s3 =	sld [smem:$0x3FB0]  }
0x31: {  	[smem:$0x3FB9] =	sst s10  }
0x32: {  	s10 =	sld [smem:$0x3FB7];
	_ =	sdelay $0x3  }
0x33: {  	p0 =	seq.s32 s10, $0x1;
	s10 =	sld [smem:$0x3FB9];
	_ =	sdelay $0x3  }
0x34: {  	[smem:$0x3FB9] =	sst s10  }
0x35: {  	s10 =	sld [smem:$0x3FB8];
	_ =	sdelay $0x3  }
0x36: {  	p1 =	seq.s32 s10, $0x1;
	s10 =	sld [smem:$0x3FB9];
	_ =	sdelay $0x3  }
0x37: {  	[smem:$0x3FB9] =	sst s10  }
0x38: {  	s10 =	sld [smem:$0x3FBA]  }
0x39: {  	_ = 	snop;
	(pc) =	sbr.ind lr, $3  }
0x3a: {  	_ = 	snop  }
0x3b: {  	_ = 	snop  }
0x3c: {  	p2 =	seq.s32 s10, $0x1;
	s10 =	sld [smem:$0x3FB9]  }
0x3d: {  	_ =	shalt  }
0x3e: {  	_ =	shalt  }
0x3f: {  	_ =	shalt  }
0x40: {  	_ =	shalt  }
0x41: {  	_ =	shalt  }
0x42: {  	_ =	shalt  }
0x43: {  	_ =	shalt  }
0x44: {  	_ =	shalt  }
0x45: {  	_ =	shalt  }
0x46: {  	_ =	shalt  }
0x47: {  	_ =	shalt  }
0x48: {  	_ =	shalt  }
0x49: {  	_ =	shalt  }
0x4a: {  	_ =	shalt  }
0x4b: {  	_ =	shalt  }
0x4c: {  	_ =	shalt  }
0x4d: {  	_ =	shalt  }
0x4e: {  	_ =	shalt  }
0x4f: {  	_ =	shalt  }
0x50: {  	_ =	shalt  }
0x51: {  	_ =	shalt  }
0x52: {  	_ =	shalt  }
0x53: {  	_ =	shalt  }
0x54: {  	_ =	shalt  }
0x55: {  	_ =	shalt  }
0x56: {  	_ =	shalt  }
0x57: {  	_ =	shalt  }
0x58: {  	_ =	shalt  }
0x59: {  	_ =	shalt  }
0x5a: {  	_ =	shalt  }
0x5b: {  	_ =	shalt  }
0x5c: {  	_ =	shalt  }
0x5d: {  	_ =	shalt  }
0x5e: {  	_ =	shalt  }
0x5f: {  	_ =	shalt  }
0x60: {  	_ =	shalt  }
0x61: {  	_ =	shalt  }
0x62: {  	_ =	shalt  }
0x63: {  	_ =	shalt  }
0x64: {  	_ =	shalt  }
0x65: {  	_ =	shalt  }
0x66: {  	_ =	shalt  }
0x67: {  	_ =	shalt  }
0x68: {  	_ =	shalt  }
0x69: {  	_ =	shalt  }
0x6a: {  	_ =	shalt  }
0x6b: {  	_ =	shalt  }
0x6c: {  	_ =	shalt  }
0x6d: {  	_ =	shalt  }
0x6e: {  	_ =	shalt  }
0x6f: {  	_ =	shalt  }
0x70: {  	_ =	shalt  }
0x71: {  	_ =	shalt  }
0x72: {  	_ =	shalt  }
0x73: {  	_ =	shalt  }
0x74: {  	_ =	shalt  }
0x75: {  	_ =	shalt  }
0x76: {  	_ =	shalt  }
0x77: {  	_ =	shalt  }
0x78: {  	_ =	shalt  }
0x79: {  	_ =	shalt  }
0x7a: {  	_ =	shalt  }
0x7b: {  	_ =	shalt  }
0x7c: {  	_ =	shalt  }
0x7d: {  	_ =	shalt  }
0x7e: {  	_ =	shalt  }
0x7f: {  	_ =	shalt  }
0x80: {  	_ =	shalt  }
0x81: {  	_ =	shalt  }
0x82: {  	_ =	shalt  }
0x83: {  	_ =	shalt  }
0x84: {  	_ =	shalt  }
0x85: {  	_ =	shalt  }
0x86: {  	_ =	shalt  }
0x87: {  	_ =	shalt  }
.Lfunc_end0:
.L_simem_size_0:
called_computation_lowered:
.L_overlay_start_0:
0x88: {  	s2 =	sld [smem:$0x3FD9]  }
0x89: {  	s3 =	sld [smem:$0x3FFE];
	_ =	sdelay $0x1  }
0x8a: {  	s1 =	srdreg.scid  }
0x8b: {  	s0 =	sand.u32 $0x1, s1  }
0x8c: {  	s17 =	sshll.u32 s0, $0xA;
	s2 =	sadd.s32 s3, s2  }
0x8d: {  	s2 =	sadd.s32 s2, s17  }
0x8e: {  	[smem:$0x3FC5] =	sst s2  }
0x8f: {  	_ = 	snop  }
0x90: {  	s2 =	sld [smem:$0x3FC9]  }
0x91: {  	s18 =	sld [smem:$0x3FC8];
	(tm) =	ssettm $0x1  }
0x92: {  	s4 =	sld [smem:$0x3FFB];
	_ =	sdelay $0x3  }
0x93: {  	_ =	strace s4  }
0x94: {  	s4 =	sld [smem:$0x3FFC];
	_ =	sdelay $0x3  }
0x95: {  	_ =	strace s4  }
0x96: {  	s4 =	sld [smem:$0x3FFD];
	_ =	sdelay $0x3  }
0x97: {  	_ =	strace s4  }
0x98: {  	_ =	strace $0x8FFFFFFF  }
0x99: {  	s19 =	sld [smem:$0x3FDB];
	_ =	sdelay $0x1  }
0x9a: {  	s5 =	simm.s32 $_scs_section_size  }
0x9b: {  	s6 =	simm.s32 $_size__tile_overlayer_lowered;
	s7 =	simm.s32 $_tile_overlayer_lowered  }
0x9c: {  	s22 =	simm.s32 $0x1BFF;
	s21 =	sshll.u32 s7, $0x1;
	s4 =	sadd.s32 s5, s19  }
0x9d: {  	s8 =	simm.s32 $0x0;
	s20 =	sshll.u32 s6, $0x1;
	s6 =	sadd.s32 s21, s4  }
0x9e: {  	[timem:s8], [sflag:s22] =	dma.local [hbm:s6], s20  }
0x9f: {  	_ =	swait.ge [sflag:s22], s20  }
0xa0: {  	s5 =	ssub.s32 $0x0, s20;
	[sflag:s22] =	ssyncset.done $0x0  }
0xa1: {  	[sflag:s22] =	ssyncadd.s32 s5;
	_ =	sdelay $0x1  }
0xa2: {  	s23 =	simm.s32 $0x1B8B  }
0xa3: {  	_ =	swait.ge [sflag:s23], $0x1  }
0xa4: {  	[sflag:s23] =	ssyncset.done $0x0  }
0xa5: {  	s25 =	simm.s32 $0x1B8E;
	s24 =	sld [smem:$0x3FFE];
	[sflag:s23] =	ssyncadd.s32 $0xFFFFFFFF  }
0xa6: {  	s26 =	simm.s32 $execute0_lowered;
	[smem:$0x3FD2] =	sst s25  }
0xa7: {  	s6 =	sshll.u32 s26, $0x1;
	_ =	strace $0x80000046;
	[dreg:$0x1] =	wrdreg $0xFFFFFFFF  }
0xa8: {  	s28 =	simm.s32 $_size_execute0_lowered;
	s4 =	sadd.s32 s4, s6;
	[dreg:$0x0] =	wrdreg $0x0  }
0xa9: {  	s6 =	sshll.u32 s28, $0x1;
	[dreg:$0x2] =	wrdreg s4  }
0xaa: {  	[dreg:$0x3] =	wrdreg s6  }
0xab: {  	[dreg:$0x4] =	wrdreg $0xC0  }
0xac: {  	_ =	task [dreg:s8], $0x5FFFF  }
0xad: {  	[dreg:$0x1] =	wrdreg $0xFFFFFFFF  }
0xae: {  	[dreg:$0x0] =	wrdreg $0x60  }
0xaf: {  	[dreg:$0x2] =	wrdreg s2  }
0xb0: {  	[dreg:$0x3] =	wrdreg s18  }
0xb1: {  	[dreg:$0x4] =	wrdreg s24  }
0xb2: {  	[dreg:$0x5] =	wrdreg $0x9  }
0xb3: {  	_ =	task.clear_ibuf [dreg:s8], $0x6FFFF;
	_ =	strace $0x90000046  }
0xb4: {  	s29 =	simm.s32 $0x9;
	_ =	strace $0x80000048  }
0xb5: {  	_ =	swait.ge [sflag:s29], $0x1  }
0xb6: {  	[sflag:s29] =	ssyncadd.s32 $0xFFFFFFFF  }
0xb7: {  	_ =	strace $0x90000048  }
0xb8: {  	_ =	sfence  }
0xb9: {  	s30 =	sld [smem:$0x0];
	_ =	sdelay $0x2  }
0xba: {  	s31 =	sshll.u32 s1, $0xD;
	s1 =	sshrl.u32 s1, $0x2  }
0xbb: {  	s3 =	sand.u32 $0x4000, s31;
	s1 =	sadd.s32 s1, s30  }
0xbc: {  	s0 =	sor.u32 s3, s0;
	s1 =	sshll.u32 s1, $0x11  }
0xbd: {  	s0 =	sor.u32 s1, s0  }
0xbe: {  	s0 =	sadd.s32 $0x8F2B, s0  }
0xbf: {  	[sflag:s0] =	ssyncadd.remote.s32 $0x1  }
0xc0: {  	_ =	sfence.sel $0xFFFF  }
0xc1: {  	[dreg:$0x0] =	wrdreg $0xFFFFFFFF;
	(pc) =	sbr.abs _section_cstart, $3  }
0xc2: {  	[dreg:$0x1] =	wrdreg $0xFFFFFFFF  }
0xc3: {  	_ =	task.clear_ibuf [dreg:s8], $0x2FFFF;
	_ =	strace $0x9FFFFFFF  }
0xc4: {  	(tm) =	ssettm $0x7FFFFFFF  }
0xc5: {  	_ =	shalt  }
tec
execute0_lowered:
.L_overlay_start_1:
0x0: {  	(tag) =	ssettag $0x1  }
0x1: {  	s4 =	rddreg [dreg:$0x0]  }
0x2: {  	s5 =	rddreg [dreg:$0x1]  }
0x3: {  	s6 =	rddreg [dreg:$0x2]  }
0x4: {  	s0 =	rddreg [dreg:$0x3];
	s2 =	simm.s32 $0x0;
	s3 =	srdreg.scid  }
0x5: {  	s1 =	stileid.u32;
	s10 =	simm.s32 $0x400;
	s11 =	simm.s32 $0x0  }
0x6: {  	[smem:$0x7FF] =	sst s2;
	s7 =	sand.u32 $0x1, s3;
	s30 =	sshll.u32 s1, $0x1  }
0x7: {  	s3 =	sadd.s32 $0x400, s6;
	s8 =	sor.u32 s7, s30;
	s7 =	ssub.s32 $0x2, s7  }
0x8: {  	_ =	strace $0x80000047;
	s9 =	sshll.u32 s8, $0xD;
	s31 =	sshrl.u32 s7, $0x1  }
0x9: {  	s8 =	sshll.u32 s8, $0x6;
	s6 =	sadd.s32 s9, s6;
	s7 =	ssub.s32 s7, s31  }
0xa: {  	s4 =	sadd.s32 s4, s8;
	s5 =	sadd.s32 s5, s8;
	s8 =	simm.s32 $0x2  }
0xb: {  	s9 =	simm.s32 $0x1;
	s6 =	sadd.s32 $0xF42800, s6;
	s7 =	smax.u32 s7, $0x1  }
.LBB2_1:
0xc: {  	[tilespmem:s2], [sflag:$0x2] =	stream.linear.gather [hbm4b:s4+s2], $0x200, $0x38;
	[tilespmem:$0x10400] =	vst v63  }
0xd: {  	_ =	swait.ge [sflag:s8], $0x200  }
0xe: {  	[sflag:s8] =	ssyncset.done $0x0  }
0xf: {  	s12 =	simm.s32 $0x200;
	[sflag:s8] =	ssyncadd.s32 $0xFFFFFE00  }
0x10: {  	[tilespmem:s12], [sflag:$0x2] =	stream.linear.gather [hbm4b:s5+s2], $0x200, $0x38;
	[tilespmem:$0x10400] =	vst v63  }
0x11: {  	_ =	swait.ge [sflag:s8], $0x200  }
0x12: {  	[sflag:s8] =	ssyncset.done $0x0  }
0x13: {  	s13 =	simm.s32 $0x0;
	s14 =	simm.s32 $0x0;
	[sflag:s8] =	ssyncadd.s32 $0xFFFFFE00  }
.LBB2_2:
0x14: {  	v0 =	vld [tilespmem:s13+$0x0];
	_ =	sdelay $0x1  }
0x15: {  	v1 =	vld [tilespmem:s12+$0x0];
	_ =	sdelay $0x2  }
0x16: {  	v0 =	vmul.u32 $0x3E8, v0;
	_ =	sdelay $0x1  }
0x17: {  	v0 =	vadd.s32 v1, v0  }
0x18: {  	v0 =	vshrl.u32 v0, $0x3  }
0x19: {  	v1 =	vand.u32 $0x7, v1;
	v0 =	vshll.u32 v0, $0xA  }
0x1a: {  	v1 =	vshll.u32 v1, $0x7;
	(v2sf) =	vpush v0, $0x0  }
0x1b: {  	(v2sf) =	vpush v1, $0x0;
	_ =	sdelay $0x2  }
0x1c: {  	(v2sf) =	vpush v0, $0x1  }
0x1d: {  	(v2sf) =	vpush v1, $0x1;
	_ =	sdelay $0x2  }
0x1e: {  	(v2sf) =	vpush v0, $0x2  }
0x1f: {  	(v2sf) =	vpush v1, $0x2;
	_ =	sdelay $0x5  }
0x20: {  	s15 =	spop (v2sf);
	(v2sf) =	vpush v0, $0x3  }
0x21: {  	s16 =	spop (v2sf);
	(v2sf) =	vpush v1, $0x3;
	_ =	sdelay $0x2  }
0x22: {  	s16 =	sor.u32 s16, s15;
	s29 =	spop (v2sf);
	(v2sf) =	vpush v0, $0x4  }
0x23: {  	s15 =	sshra.s32 s14, $0x2;
	s16 =	sshrl.u32 s16, $0x3;
	s30 =	spop (v2sf);
	(v2sf) =	vpush v1, $0x4  }
0x24: {  	s17 =	sadd.s32 $0x400, s15;
	s16 =	sadd.s32 s3, s16  }
0x25: {  	[tilespmem:s17], [sflag:$0x1] =	stream.linear.gather [hbm4b:s16+s2], $0x80, $0x38;
	[tilespmem:$0x10400] =	vst v63  }
0x26: {  	s17 =	spop (v2sf);
	(v2sf) =	vpush v0, $0x5  }
0x27: {  	s18 =	spop (v2sf);
	(v2sf) =	vpush v1, $0x5;
	_ =	sdelay $0x5  }
0x28: {  	s16 =	sor.u32 s30, s29;
	s20 =	spop (v2sf);
	(v2sf) =	vpush v0, $0x6  }
0x29: {  	s16 =	sshrl.u32 s16, $0x3;
	s21 =	spop (v2sf);
	(v2sf) =	vpush v1, $0x6  }
0x2a: {  	s31 =	sadd.s32 $0x480, s15;
	s16 =	sadd.s32 s3, s16  }
0x2b: {  	[tilespmem:s31], [sflag:$0x1] =	stream.linear.gather [hbm4b:s16+s2], $0x80, $0x38;
	[tilespmem:$0x10400] =	vst v63  }
0x2c: {  	s16 =	sor.u32 s18, s17;
	s23 =	spop (v2sf);
	(v2sf) =	vpush v0, $0x7  }
0x2d: {  	s16 =	sshrl.u32 s16, $0x3;
	s24 =	spop (v2sf);
	(v2sf) =	vpush v1, $0x7  }
0x2e: {  	s19 =	sadd.s32 $0x500, s15;
	s16 =	sadd.s32 s3, s16  }
0x2f: {  	[tilespmem:s19], [sflag:$0x1] =	stream.linear.gather [hbm4b:s16+s2], $0x80, $0x38;
	[tilespmem:$0x10400] =	vst v63  }
0x30: {  	s26 =	spop (v2sf);
	(v2sf) =	vpush v0, $0x8  }
0x31: {  	s28 =	spop (v2sf);
	(v2sf) =	vpush v1, $0x8  }
0x32: {  	s16 =	sor.u32 s21, s20  }
0x33: {  	s16 =	sshrl.u32 s16, $0x3  }
0x34: {  	s22 =	sadd.s32 $0x580, s15;
	s16 =	sadd.s32 s3, s16  }
0x35: {  	[tilespmem:s22], [sflag:$0x1] =	stream.linear.gather [hbm4b:s16+s2], $0x80, $0x38;
	[tilespmem:$0x10400] =	vst v63  }
0x36: {  	s16 =	sor.u32 s24, s23  }
0x37: {  	s16 =	sshrl.u32 s16, $0x3;
	s30 =	spop (v2sf);
	(v2sf) =	vpush v0, $0x9  }
0x38: {  	s25 =	sadd.s32 $0x600, s15;
	s16 =	sadd.s32 s3, s16;
	s31 =	spop (v2sf);
	(v2sf) =	vpush v1, $0x9  }
0x39: {  	[tilespmem:s25], [sflag:$0x1] =	stream.linear.gather [hbm4b:s16+s2], $0x80, $0x38;
	[tilespmem:$0x10400] =	vst v63  }
0x3a: {  	s16 =	sor.u32 s28, s26  }
0x3b: {  	s16 =	sshrl.u32 s16, $0x3;
	s19 =	spop (v2sf);
	(v2sf) =	vpush v0, $0xA  }
0x3c: {  	s29 =	sadd.s32 $0x680, s15;
	s16 =	sadd.s32 s3, s16;
	s20 =	spop (v2sf);
	(v2sf) =	vpush v1, $0xA  }
0x3d: {  	[tilespmem:s29], [sflag:$0x1] =	stream.linear.gather [hbm4b:s16+s2], $0x80, $0x38;
	[tilespmem:$0x10400] =	vst v63  }
0x3e: {  	s16 =	sor.u32 s31, s30  }
0x3f: {  	s16 =	sshrl.u32 s16, $0x3;
	s22 =	spop (v2sf);
	(v2sf) =	vpush v0, $0xB  }
0x40: {  	s18 =	sadd.s32 $0x700, s15;
	s16 =	sadd.s32 s3, s16;
	s23 =	spop (v2sf);
	(v2sf) =	vpush v1, $0xB  }
0x41: {  	[tilespmem:s18], [sflag:$0x1] =	stream.linear.gather [hbm4b:s16+s2], $0x80, $0x38;
	[tilespmem:$0x10400] =	vst v63  }
0x42: {  	s16 =	sor.u32 s20, s19  }
0x43: {  	s16 =	sshrl.u32 s16, $0x3  }
0x44: {  	s21 =	sadd.s32 $0x780, s15;
	s16 =	sadd.s32 s3, s16  }
0x45: {  	[tilespmem:s21], [sflag:$0x1] =	stream.linear.gather [hbm4b:s16+s2], $0x80, $0x38;
	[tilespmem:$0x10400] =	vst v63  }
0x46: {  	s16 =	sor.u32 s23, s22;
	s25 =	spop (v2sf);
	(v2sf) =	vpush v0, $0xC  }
0x47: {  	s16 =	sshrl.u32 s16, $0x3;
	s26 =	spop (v2sf);
	(v2sf) =	vpush v1, $0xC  }
0x48: {  	s24 =	sadd.s32 $0x800, s15;
	s16 =	sadd.s32 s3, s16  }
0x49: {  	[tilespmem:s24], [sflag:$0x1] =	stream.linear.gather [hbm4b:s16+s2], $0x80, $0x38;
	[tilespmem:$0x10400] =	vst v63  }
0x4a: {  	s16 =	sor.u32 s26, s25;
	s29 =	spop (v2sf);
	(v2sf) =	vpush v0, $0xD  }
0x4b: {  	s16 =	sshrl.u32 s16, $0x3;
	s30 =	spop (v2sf);
	(v2sf) =	vpush v1, $0xD  }
0x4c: {  	s28 =	sadd.s32 $0x880, s15;
	s16 =	sadd.s32 s3, s16  }
0x4d: {  	[tilespmem:s28], [sflag:$0x1] =	stream.linear.gather [hbm4b:s16+s2], $0x80, $0x38;
	[tilespmem:$0x10400] =	vst v63  }
0x4e: {  	s17 =	spop (v2sf);
	(v2sf) =	vpush v0, $0xE  }
0x4f: {  	s18 =	spop (v2sf);
	(v2sf) =	vpush v1, $0xE  }
0x50: {  	s16 =	sor.u32 s30, s29  }
0x51: {  	s16 =	sshrl.u32 s16, $0x3  }
0x52: {  	s31 =	sadd.s32 $0x900, s15;
	s16 =	sadd.s32 s3, s16  }
0x53: {  	[tilespmem:s31], [sflag:$0x1] =	stream.linear.gather [hbm4b:s16+s2], $0x80, $0x38;
	[tilespmem:$0x10400] =	vst v63  }
0x54: {  	s16 =	sor.u32 s18, s17  }
0x55: {  	s16 =	sshrl.u32 s16, $0x3;
	s20 =	spop (v2sf);
	(v2sf) =	vpush v0, $0xF  }
0x56: {  	s19 =	sadd.s32 $0x980, s15;
	s16 =	sadd.s32 s3, s16;
	s21 =	spop (v2sf);
	(v2sf) =	vpush v1, $0xF  }
0x57: {  	[tilespmem:s19], [sflag:$0x1] =	stream.linear.gather [hbm4b:s16+s2], $0x80, $0x38;
	[tilespmem:$0x10400] =	vst v63  }
0x58: {  	s16 =	sor.u32 s21, s20  }
0x59: {  	s23 =	spop (v2sf);
	s16 =	sshrl.u32 s16, $0x3  }
0x5a: {  	s22 =	sadd.s32 $0xA00, s15;
	s24 =	spop (v2sf);
	s16 =	sadd.s32 s3, s16  }
0x5b: {  	[tilespmem:s22], [sflag:$0x1] =	stream.linear.gather [hbm4b:s16+s2], $0x80, $0x38;
	[tilespmem:$0x10400] =	vst v63  }
0x5c: {  	s16 =	sor.u32 s24, s23  }
0x5d: {  	s26 =	spop (v2sf);
	s16 =	sshrl.u32 s16, $0x3  }
0x5e: {  	s25 =	sadd.s32 $0xA80, s15;
	s28 =	spop (v2sf);
	s16 =	sadd.s32 s3, s16  }
0x5f: {  	[tilespmem:s25], [sflag:$0x1] =	stream.linear.gather [hbm4b:s16+s2], $0x80, $0x38;
	[tilespmem:$0x10400] =	vst v63  }
0x60: {  	s16 =	sor.u32 s28, s26  }
0x61: {  	s16 =	sshrl.u32 s16, $0x3  }
0x62: {  	s29 =	sadd.s32 $0xB00, s15;
	s16 =	sadd.s32 s3, s16  }
0x63: {  	[tilespmem:s29], [sflag:$0x1] =	stream.linear.gather [hbm4b:s16+s2], $0x80, $0x38;
	[tilespmem:$0x10400] =	vst v63  }
0x64: {  	p0 =	sne.s32 s14, $0x3E000;
	s30 =	spop (v2sf)  }
.Ltmp0:
0x65: {  	s31 =	spop (v2sf);
	(pc) =	sbr.rel @p0 .LBB2_2-.Ltmp0, $4  }
0x66: {  	s16 =	sor.u32 s31, s30  }
0x67: {  	s13 =	sadd.s32 $0x10, s13;
	s12 =	sadd.s32 $0x10, s12;
	s16 =	sshrl.u32 s16, $0x3  }
0x68: {  	s14 =	sadd.s32 $0x2000, s14;
	s15 =	sadd.s32 $0xB80, s15;
	s16 =	sadd.s32 s3, s16  }
0x69: {  	[tilespmem:s15], [sflag:$0x1] =	stream.linear.gather [hbm4b:s16+s2], $0x80, $0x38;
	[tilespmem:$0x10400] =	vst v63  }
0x6a: {  	_ =	swait.ge [sflag:s9], $0x10000;
	s11 =	sadd.s32 $0x1, s11  }
0x6b: {  	[sflag:s9] =	ssyncset.done $0x0;
	p0 =	sne.s32 s11, s7  }
.Ltmp1:
0x6c: {  	[sflag:s9] =	ssyncadd.s32 $0xFFFF0000;
	(pc) =	sbr.rel @p0 .LBB2_1-.Ltmp1, $4  }
0x6d: {  	[hbm4b:s6+s2] =	stream.linear.scatter [tilespmem:s10], [sflag:$0x2], $0x10000, $0x38;
	[tilespmem:$0x10400] =	vst v63  }
0x6e: {  	_ =	swait.ge [sflag:s8], $0x10000  }
0x6f: {  	[sflag:s8] =	ssyncset.done $0x0  }
0x70: {  	[sflag:s8] =	ssyncadd.s32 $0xFFFF0000  }
0x71: {  	_ =	sfence.sel $0x180000  }
0x72: {  	[bflag:$0x0] =	sbarrier.arrive $0xFFFF  }
0x73: {  	p0 =	sne.s32 s1, $0x0;
	_ =	strace $0x90000047  }
0x74: {  	s0 =	sadd.s32 @!p0 $0x100000, s0;
	[bflag:$0x2] =	sbarrier.arrive $0xFFFF  }
0x75: {  	[sflag:s0] =	ssyncadd.tile.s32 @!p0 $0x1;
	_ =	shalt  }
.Lfunc_end2:
_tile_overlayer_lowered:
.L_overlay_start_2:
0x76: {  	(tag) =	ssettag $0x2  }
0x77: {  	s0 =	rddreg [dreg:$0x0];
	s2 =	stileid.u32  }
0x78: {  	s1 =	rddreg [dreg:$0x1];
	p0 =	sne.s32 s2, $0x0  }
0x79: {  	s3 =	rddreg [dreg:$0x2];
	[bflag:$0x3] =	sbarrier.arrive $0xFFFF;
	s2 =	simm.s32 @!p0 $0x1C02  }
0x7a: {  	[timem:s3], [sflag:s2] =	dma.local @!p0 [hbm:s0], s1  }
0x7b: {  	s0 =	simm.s32 @!p0 $0x2  }
0x7c: {  	_ =	swait.ge @!p0 [sflag:s0], s1  }
0x7d: {  	s1 =	ssub.s32 @!p0 $0x0, s1;
	[sflag:s0] =	ssyncset.done @!p0 $0x0  }
0x7e: {  	[sflag:s0] =	ssyncadd.s32 @!p0 s1  }
0x7f: {  	[bflag:$0x3] =	sbarrier.arrive $0xFFFF  }
0x80: {  	_ =	shalt  }

</sc_bundles>
